<compile_context>
chip_gen: v7x
topology: tpu7x:2x2x1
jax: 0.10.2.dev20260603
libtpu: 0.0.44.dev20260713+nightly
codegen_flags: <defaults>
</compile_context>

<pallas_src>
import jax
import jax.numpy as jnp
from jax import lax
from jax.experimental import pallas as pl
from jax.experimental.pallas import tpu as pltpu
from jax.experimental.pallas import tpu_sc as plsc

_HIDDEN = 256
_NB = 8
_BS = 1024
_N = _NB * _BS
_R2 = 4.5 * 4.5
_R3CAP = 4096
_R3SUB = 4


def _graph_kernel(g_ref, a_ref, within_ref, idx2_ref, idx1_ref):
    b = pl.program_id(0)
    g8 = g_ref[...]
    a8 = a_ref[...]
    sg = jnp.sum(g8 * g8, axis=1, keepdims=True)
    sa = jnp.sum(a8 * a8, axis=1, keepdims=True)
    gb = g8.astype(jnp.bfloat16)
    ab = a8.astype(jnp.bfloat16)

    def top3(d2, out_ref, base):
        lane = jax.lax.broadcasted_iota(jnp.int32, d2.shape, 1)
        for j in range(3):
            mn = jnp.min(d2, axis=1, keepdims=True)
            am = jnp.min(jnp.where(d2 == mn, lane, jnp.int32(2**30)),
                         axis=1, keepdims=True)
            out_ref[:, j:j + 1] = am + base
            d2 = jnp.where(lane == am, jnp.float32(jnp.inf), d2)

    m = jax.lax.dot_general(gb, ab, (((1,), (1,)), ((), ())),
                            preferred_element_type=jnp.float32)
    d2 = jnp.maximum((sg + sa.T) - 2.0 * m, 0.0)
    within_ref[...] = (d2 <= _R2).astype(jnp.int32)
    top3(d2, idx2_ref, b * _BS)

    m2 = jax.lax.dot_general(ab, gb, (((1,), (1,)), ((), ())),
                             preferred_element_type=jnp.float32)
    d2b = jnp.maximum((sa + sg.T) - 2.0 * m2, 0.0)
    top3(d2b, idx1_ref, b * _BS)


def _build_graph(atom_pos, grid_pos):
    pad = jnp.zeros((_N, 5), jnp.float32)
    apos8 = jnp.concatenate([atom_pos, pad], axis=1)
    gpos8 = jnp.concatenate([grid_pos, pad], axis=1)
    return pl.pallas_call(
        _graph_kernel,
        grid=(_NB,),
        in_specs=[
            pl.BlockSpec((_BS, 8), lambda b: (b, 0)),
            pl.BlockSpec((_BS, 8), lambda b: (b, 0)),
        ],
        out_specs=[
            pl.BlockSpec((_BS, _BS), lambda b: (b, 0)),
            pl.BlockSpec((_BS, 8), lambda b: (b, 0)),
            pl.BlockSpec((_BS, 8), lambda b: (b, 0)),
        ],
        out_shape=[
            jax.ShapeDtypeStruct((_N, _BS), jnp.int32),
            jax.ShapeDtypeStruct((_N, 8), jnp.int32),
            jax.ShapeDtypeStruct((_N, 8), jnp.int32),
        ],
    )(gpos8, apos8)



_NTILES = 32
_TILE_ELEMS = _N * _BS // _NTILES
_NSTAGES = 4
_STAGE = _TILE_ELEMS // _NSTAGES
_TCAP = _R3CAP // 4


def _compact_body(win_ref, nz_ref, cnt_ref, stage_v, out_v, cnt_v):
    wid = lax.axis_index("s") * 2 + lax.axis_index("c")
    tile_base = wid * _TILE_ELEMS
    lanes = lax.iota(jnp.int32, 16)

    off = jnp.int32(0)
    for k in range(_NSTAGES):
        pltpu.sync_copy(win_ref.at[pl.ds(tile_base + k * _STAGE, _STAGE)],
                        stage_v)

        def inner(i, off, k=k):
            v = plsc.load_gather(stage_v, [i * 16 + lanes])
            m = v != 0
            idx = (tile_base + k * _STAGE + i * 16) + lanes
            cum = plsc.cumsum(m.astype(jnp.int32))
            plsc.store_scatter(out_v, [off + cum - 1], idx, mask=m)
            return jnp.minimum(off + jnp.max(cum), jnp.int32(_TCAP))

        off = lax.fori_loop(0, _STAGE // 16, inner, off)

    pltpu.sync_copy(out_v.at[pl.ds(0, _TCAP)], nz_ref.at[pl.ds(wid * _TCAP, _TCAP)])
    cnt_v[...] = jnp.zeros((16,), jnp.int32) + off
    pltpu.sync_copy(cnt_v, cnt_ref.at[pl.ds(wid * 16, 16)])


def _sc_compact(win_flat):
    mesh = plsc.VectorSubcoreMesh(core_axis_name="c", subcore_axis_name="s")
    fn = pl.kernel(
        _compact_body,
        out_type=[
            jax.ShapeDtypeStruct((_NTILES * _TCAP,), jnp.int32),
            jax.ShapeDtypeStruct((_NTILES * 16,), jnp.int32),
        ],
        mesh=mesh,
        scratch_types=[
            pltpu.VMEM((_STAGE,), jnp.int32),
            pltpu.VMEM((_TCAP + 16,), jnp.int32),
            pltpu.VMEM((16,), jnp.int32),
        ],
        compiler_params=pltpu.CompilerParams(needs_layout_passes=False),
    )
    return fn(win_flat)


def _dotb(a, b):
    return jnp.dot(a.astype(jnp.bfloat16), b.astype(jnp.bfloat16),
                   preferred_element_type=jnp.float32)


def _matmul_bias_kernel(x_ref, w_ref, b_ref, o_ref):
    o_ref[...] = _dotb(x_ref[...], w_ref[...]) + b_ref[...]


def _matmul_bias(x, w, b, block_rows=1024):
    n, k = x.shape
    ko, m = w.shape
    return pl.pallas_call(
        _matmul_bias_kernel,
        grid=(n // block_rows,),
        in_specs=[
            pl.BlockSpec((block_rows, k), lambda i: (i, 0)),
            pl.BlockSpec((ko, m), lambda i: (0, 0)),
            pl.BlockSpec((1, m), lambda i: (0, 0)),
        ],
        out_specs=pl.BlockSpec((block_rows, m), lambda i: (i, 0)),
        out_shape=jax.ShapeDtypeStruct((n, m), jnp.float32),
    )(x, w, b.reshape(1, m))


def _edge_mlp(h1, w2, b2):
    h2 = _dotb(jnp.maximum(h1, 0.0), w2) + b2
    return jnp.maximum(h2, 0.0)


def _segsum(col_local, x):
    lane = jax.lax.broadcasted_iota(jnp.int32, (col_local.shape[0], _BS), 1)
    oh = (col_local == lane).astype(jnp.bfloat16)
    return jax.lax.dot_general(oh, x.astype(jnp.bfloat16),
                               (((0,), (0,)), ((), ())),
                               preferred_element_type=jnp.float32)


def _s1_kernel(a1_ref, d2_ref, wt_ref, il_ref, v_ref, w2_ref, b2_ref,
               o_ref, c_ref):
    a1 = a1_ref[...]
    v = v_ref[...]
    acc = jnp.zeros((_BS, _HIDDEN), jnp.float32)
    cacc = jnp.zeros((_BS, 1), jnp.float32)
    for j in range(3):
        dist = jnp.sqrt(d2_ref[:, j:j + 1])
        wt = wt_ref[:, j:j + 1]
        h2w = _edge_mlp(a1 + dist * v, w2_ref[...], b2_ref[...]) * wt
        col = il_ref[:, j:j + 1]
        acc = acc + _segsum(col, h2w)
        cacc = cacc + _segsum(col, wt)
    o_ref[...] = acc
    c_ref[...] = cacc


def _s1_mlp(a1, d2, wt, il, v, w2, b2):
    return pl.pallas_call(
        _s1_kernel,
        grid=(_NB,),
        in_specs=[
            pl.BlockSpec((_BS, _HIDDEN), lambda b: (b, 0)),
            pl.BlockSpec((_BS, 3), lambda b: (b, 0)),
            pl.BlockSpec((_BS, 3), lambda b: (b, 0)),
            pl.BlockSpec((_BS, 3), lambda b: (b, 0)),
            pl.BlockSpec((1, _HIDDEN), lambda b: (0, 0)),
            pl.BlockSpec((_HIDDEN, _HIDDEN), lambda b: (0, 0)),
            pl.BlockSpec((1, _HIDDEN), lambda b: (0, 0)),
        ],
        out_specs=[
            pl.BlockSpec((_BS, _HIDDEN), lambda b: (b, 0)),
            pl.BlockSpec((_BS, 1), lambda b: (b, 0)),
        ],
        out_shape=[
            jax.ShapeDtypeStruct((_N, _HIDDEN), jnp.float32),
            jax.ShapeDtypeStruct((_N, 1), jnp.float32),
        ],
    )(a1, d2, wt, il, v.reshape(1, _HIDDEN), w2, b2.reshape(1, _HIDDEN))


def _gather_oh(idx_local, a1):
    lane = jax.lax.broadcasted_iota(jnp.int32, (idx_local.shape[0], _BS), 1)
    oh = (idx_local == lane).astype(jnp.bfloat16)
    return jnp.dot(oh, a1.astype(jnp.bfloat16),
                   preferred_element_type=jnp.float32)


def _s2_kernel(a1_ref, i2l_ref, d2_ref, wt_ref, v_ref, w2_ref, b2_ref,
               o_ref, c_ref):
    v = v_ref[...]
    a1 = a1_ref[...]
    acc = jnp.zeros((_BS, _HIDDEN), jnp.float32)
    for j in range(3):
        ga = _gather_oh(i2l_ref[:, j:j + 1], a1)
        dist = jnp.sqrt(d2_ref[:, j:j + 1])
        h2 = _edge_mlp(ga + dist * v, w2_ref[...], b2_ref[...])
        acc = acc + h2 * wt_ref[:, j:j + 1]
    o_ref[...] = acc
    c_ref[...] = jnp.sum(wt_ref[...], axis=1, keepdims=True)


def _s2_mlp(a1, i2l, d2, wt, v, w2, b2, block=1024):
    return pl.pallas_call(
        _s2_kernel,
        grid=(_N // block,),
        in_specs=[
            pl.BlockSpec((block, _HIDDEN), lambda i: (i, 0)),
            pl.BlockSpec((block, 3), lambda i: (i, 0)),
            pl.BlockSpec((block, 3), lambda i: (i, 0)),
            pl.BlockSpec((block, 3), lambda i: (i, 0)),
            pl.BlockSpec((1, _HIDDEN), lambda i: (0, 0)),
            pl.BlockSpec((_HIDDEN, _HIDDEN), lambda i: (0, 0)),
            pl.BlockSpec((1, _HIDDEN), lambda i: (0, 0)),
        ],
        out_specs=[
            pl.BlockSpec((block, _HIDDEN), lambda i: (i, 0)),
            pl.BlockSpec((block, 1), lambda i: (i, 0)),
        ],
        out_shape=[
            jax.ShapeDtypeStruct((_N, _HIDDEN), jnp.float32),
            jax.ShapeDtypeStruct((_N, 1), jnp.float32),
        ],
    )(a1, i2l, d2, wt, v.reshape(1, _HIDDEN), w2, b2.reshape(1, _HIDDEN))


def _s3_kernel(a1_ref, rl_ref, d2_ref, wt_ref, cl_ref, v_ref, w2_ref, b2_ref,
               o_ref, c_ref):
    j = pl.program_id(1)
    ga = _gather_oh(rl_ref[...], a1_ref[...])
    dist = jnp.sqrt(d2_ref[...])
    wt = wt_ref[...]
    h2w = _edge_mlp(ga + dist * v_ref[...], w2_ref[...], b2_ref[...]) * wt
    col = cl_ref[...]
    s = _segsum(col, h2w)
    c = _segsum(col, wt)

    @pl.when(j == 0)
    def _():
        o_ref[...] = s
        c_ref[...] = c

    @pl.when(j > 0)
    def _():
        o_ref[...] += s
        c_ref[...] += c


def _s3_mlp(a1, rows_local, d2e, wt, col_local, v, w2, b2):
    e = d2e.shape[0]
    sub = _R3CAP // _R3SUB
    return pl.pallas_call(
        _s3_kernel,
        grid=(_NB, _R3SUB),
        in_specs=[
            pl.BlockSpec((_BS, _HIDDEN), lambda b, j: (b, 0)),
            pl.BlockSpec((sub, 1), lambda b, j: (b * _R3SUB + j, 0)),
            pl.BlockSpec((sub, 1), lambda b, j: (b * _R3SUB + j, 0)),
            pl.BlockSpec((sub, 1), lambda b, j: (b * _R3SUB + j, 0)),
            pl.BlockSpec((sub, 1), lambda b, j: (b * _R3SUB + j, 0)),
            pl.BlockSpec((1, _HIDDEN), lambda b, j: (0, 0)),
            pl.BlockSpec((_HIDDEN, _HIDDEN), lambda b, j: (0, 0)),
            pl.BlockSpec((1, _HIDDEN), lambda b, j: (0, 0)),
        ],
        out_specs=[
            pl.BlockSpec((_BS, _HIDDEN), lambda b, j: (b, 0)),
            pl.BlockSpec((_BS, 1), lambda b, j: (b, 0)),
        ],
        out_shape=[
            jax.ShapeDtypeStruct((_N, _HIDDEN), jnp.float32),
            jax.ShapeDtypeStruct((_N, 1), jnp.float32),
        ],
    )(a1, rows_local.reshape(e, 1), d2e.reshape(e, 1), wt.reshape(e, 1),
      col_local.reshape(e, 1), v.reshape(1, _HIDDEN), w2,
      b2.reshape(1, _HIDDEN))


def _final_mlp_kernel(s1_ref, s2_ref, s3_ref, c1_ref, c2_ref, c3_ref,
                      w3_ref, b3_ref, u1_ref, ub1_ref, u2_ref, ub2_ref, o_ref):
    c = c1_ref[...] + c2_ref[...] + c3_ref[...]
    s = s1_ref[...] + s2_ref[...] + s3_ref[...]
    gf = (
        _dotb(s, w3_ref[...]) / jnp.maximum(c, 1.0)
        + b3_ref[...] * jnp.minimum(c, 1.0)
    )
    g = jnp.maximum(_dotb(gf, u1_ref[...]) + ub1_ref[...], 0.0)
    o_ref[...] = _dotb(g, u2_ref[...]) + ub2_ref[...]


def _final_mlp(s1, s2, s3, c1, c2, c3, w3, b3, u1, ub1, u2, ub2,
               block_rows=1024):
    n, h = s1.shape
    big = pl.BlockSpec((block_rows, h), lambda i: (i, 0))
    one = pl.BlockSpec((block_rows, 1), lambda i: (i, 0))
    wspec = pl.BlockSpec((h, h), lambda i: (0, 0))
    bspec = pl.BlockSpec((1, h), lambda i: (0, 0))
    return pl.pallas_call(
        _final_mlp_kernel,
        grid=(n // block_rows,),
        in_specs=[big, big, big, one, one, one,
                  wspec, bspec, wspec, bspec, wspec, bspec],
        out_specs=big,
        out_shape=jax.ShapeDtypeStruct((n, h), jnp.float32),
    )(
        s1, s2, s3, c1.reshape(n, 1), c2.reshape(n, 1), c3.reshape(n, 1),
        w3, b3.reshape(1, h), u1, ub1.reshape(1, h), u2, ub2.reshape(1, h),
    )


def kernel(atom_features, atom_pos, grid_pos, atom_batch, grid_batch,
           W1, b1, W2, b2, W3, b3, U1, ub1, U2, ub2):
    within, idx2, idx1 = _build_graph(atom_pos, grid_pos)
    i1 = idx1[:, :3]
    i2 = idx2[:, :3]

    wflat = within.reshape(-1)

    def in_s3(r, c):
        return wflat[r * _BS + (c % _BS)].astype(jnp.int32)

    arange_n = jnp.arange(_N, dtype=jnp.int32)

    s1_in2 = jnp.any(
        i2[i1] == arange_n[:, None, None], axis=2).astype(jnp.int32)
    w1e = 1.0 / (1 + s1_in2 + in_s3(arange_n[:, None], i1)).astype(jnp.float32)

    s2_in1 = jnp.any(
        i1[i2] == arange_n[:, None, None], axis=2).astype(jnp.int32)
    w2e = 1.0 / (1 + s2_in1 + in_s3(i2, arange_n[:, None])).astype(jnp.float32)

    nzf, cnts = _sc_compact(wflat)
    totals = cnts.reshape(_NTILES, 16)[:, 0]
    valid3 = (jnp.arange(_TCAP, dtype=jnp.int32)[None, :]
              < totals[:, None]).reshape(-1)
    nzf = jnp.where(valid3, nzf, 0)
    rows3 = nzf // _BS
    colsl = nzf % _BS
    cols3 = (rows3 // _BS) * _BS + colsl
    s3_in1 = jnp.any(i1[rows3] == cols3[:, None], axis=1).astype(jnp.int32)
    s3_in2 = jnp.any(i2[cols3] == rows3[:, None], axis=1).astype(jnp.int32)
    w3e = jnp.where(valid3, 1.0 / (1 + s3_in1 + s3_in2).astype(jnp.float32), 0.0)

    A1 = _matmul_bias(atom_features, W1[:_HIDDEN], b1)
    v = W1[2 * _HIDDEN]

    d2_1 = jnp.sum((atom_pos[:, None, :] - grid_pos[i1]) ** 2, axis=-1)
    d2_2 = jnp.sum((atom_pos[i2] - grid_pos[:, None, :]) ** 2, axis=-1)
    dv3 = atom_pos[rows3] - grid_pos[cols3]
    d2_3 = jnp.sum(dv3 * dv3, axis=-1)

    i1l = i1 % _BS
    i2l = i2 % _BS
    rowsl = rows3 % _BS

    s1_dense, c1_dense = _s1_mlp(A1, d2_1, w1e, i1l, v, W2, b2)
    s2_dense, c2_dense = _s2_mlp(A1, i2l, d2_2, w2e, v, W2, b2)
    s3_dense, c3_dense = _s3_mlp(A1, rowsl, d2_3, w3e, colsl, v, W2, b2)

    return _final_mlp(s1_dense, s2_dense, s3_dense,
                      c1_dense, c2_dense, c3_dense,
                      W3, b3, U1, ub1, U2, ub2)

# --- scband reference (transcript-rebuilt; emitter-appended) ---
"""Pipeline reference for scband-gridification-layer-17695265259956 (READ-ONLY COPY).

The authoritative reference and input builder live on the scoring server;
editing this copy changes nothing except your own understanding.
"""

import jax, jax.numpy as jnp
import numpy as np

HIDDEN = 256
K_A2G = 3
K_G2A = 3
RADIUS = 4.5
N_ATOMS = 8192
N_GRID = 8192
N_BATCH = 8
BOX = 60.0
RADIUS_CAP = 16 * N_GRID


def _pairwise_d2(x, y, batch_x, batch_y):
    # d2[i, j] = ||y[i] - x[j]||^2, with a large penalty across different batches
    d2 = jnp.sum(y * y, axis=1)[:, None] + jnp.sum(x * x, axis=1)[None, :] - 2.0 * (y @ x.T)
    d2 = jnp.maximum(d2, 0.0)
    penalty = jnp.where(batch_y[:, None] != batch_x[None, :], 1e12, 0.0).astype(d2.dtype)
    return d2 + penalty


def _knn(x, y, k, batch_x, batch_y):
    # torch_cluster.knn semantics: for each element of y, k nearest in x.
    # returns (row = y indices, col = x indices)
    d2 = _pairwise_d2(x, y, batch_x, batch_y)
    _, idx = jax.lax.top_k(-d2, k)
    row = jnp.repeat(jnp.arange(y.shape[0]), k)
    col = idx.reshape(-1)
    return row, col


def _radius_graph(x, y, r, batch_x, batch_y):
    # torch_cluster.radius semantics: for each element of y, all x within r.
    d2 = _pairwise_d2(x, y, batch_x, batch_y)
    within = d2 <= r * r
    row, col = jnp.nonzero(within, size=RADIUS_CAP, fill_value=0)
    valid = jnp.arange(RADIUS_CAP) < jnp.sum(within)
    return row, col, valid


def _coalesce(row, col, m):
    key = row * m + col
    key = jnp.sort(key)
    keep = jnp.concatenate([jnp.ones((1,), dtype=bool), key[1:] != key[:-1]])
    return key // m, key % m, keep


def build_bipartite_edges(atom_pos, grid_pos, atom_batch, grid_batch):
    row1, col1 = _knn(grid_pos, atom_pos, K_A2G, grid_batch, atom_batch)
    row2, col2 = _knn(atom_pos, grid_pos, K_G2A, atom_batch, grid_batch)
    row3, col3, valid3 = _radius_graph(atom_pos, grid_pos, RADIUS, atom_batch, grid_batch)
    row3 = jnp.where(valid3, row3, row1[0])
    col3 = jnp.where(valid3, col3, col1[0])
    # faithful to original module (row3/col3 placement as written)
    row = jnp.concatenate([row1, col2, row3])
    col = jnp.concatenate([col1, row2, col3])
    m = grid_pos.shape[0]
    return _coalesce(row, col, m)


def setup_inputs(seed: int = 0):
    key = jax.random.key(seed)
    ks = jax.random.split(key, 10)
    atom_features = jax.random.normal(ks[0], (N_ATOMS, HIDDEN), dtype=jnp.float32)
    atom_pos = jax.random.uniform(ks[1], (N_ATOMS, 3), dtype=jnp.float32) * BOX
    grid_pos = jax.random.uniform(ks[2], (N_GRID, 3), dtype=jnp.float32) * BOX
    atom_batch = (jnp.arange(N_ATOMS) * N_BATCH) // N_ATOMS
    grid_batch = (jnp.arange(N_GRID) * N_BATCH) // N_GRID
    d_in = 2 * HIDDEN + 1

    def lin(k, fi, fo):
        return jax.random.normal(k, (fi, fo), dtype=jnp.float32) / np.sqrt(fi)

    return {
        'atom_features': atom_features,
        'atom_pos': atom_pos,
        'grid_pos': grid_pos,
        'atom_batch': atom_batch,
        'grid_batch': grid_batch,
        'W1': lin(ks[3], d_in, HIDDEN), 'b1': jnp.zeros((HIDDEN,), jnp.float32),
        'W2': lin(ks[4], HIDDEN, HIDDEN), 'b2': jnp.zeros((HIDDEN,), jnp.float32),
        'W3': lin(ks[5], HIDDEN, HIDDEN), 'b3': jnp.zeros((HIDDEN,), jnp.float32),
        'U1': lin(ks[6], HIDDEN, HIDDEN), 'ub1': jnp.zeros((HIDDEN,), jnp.float32),
        'U2': lin(ks[7], HIDDEN, HIDDEN), 'ub2': jnp.zeros((HIDDEN,), jnp.float32),
    }


def reference(atom_features, atom_pos, grid_pos, atom_batch, grid_batch,
              W1, b1, W2, b2, W3, b3, U1, ub1, U2, ub2):
    row, col, keep = build_bipartite_edges(atom_pos, grid_pos, atom_batch, grid_batch)
    w = keep.astype(jnp.float32)
    dvec = atom_pos[row] - grid_pos[col]
    distances = jnp.sqrt(jnp.sum(dvec * dvec, axis=-1, keepdims=True))
    zeros_grid = jnp.zeros((col.shape[0], HIDDEN), dtype=atom_features.dtype)
    msg_input = jnp.concatenate([atom_features[row], zeros_grid, distances], axis=-1)
    h = jax.nn.relu(msg_input @ W1 + b1)
    h = jax.nn.relu(h @ W2 + b2)
    messages = (h @ W3 + b3) * w[:, None]
    sums = jax.ops.segment_sum(messages, col, num_segments=N_GRID)
    counts = jax.ops.segment_sum(w, col, num_segments=N_GRID)
    grid_features = sums / jnp.maximum(counts, 1.0)[:, None]
    g = jax.nn.relu(grid_features @ U1 + ub1)
    return g @ U2 + ub2

if __name__ == "__main__":
    import jax
    _d = setup_inputs()
    print(jax.jit(kernel)(*tuple(_d.values())))

</pallas_src>

<mosaic_0001>
#map = affine_map<(d0, d1) -> (0)>
module attributes {stable_mosaic.version = 14 : i64} {
  func.func @_compact_body(%arg0: i32, %arg1: i32, %arg2: memref<8388608xi32, #tpu.memory_space<hbm>>, %arg3: memref<32768xi32, #tpu.memory_space<hbm>>, %arg4: memref<512xi32, #tpu.memory_space<hbm>>, %arg5: memref<65536xi32, #tpu.memory_space<vmem>>, %arg6: memref<1040xi32, #tpu.memory_space<vmem>>, %arg7: memref<16xi32, #tpu.memory_space<vmem>>) attributes {dimension_semantics = [#tpu.dimension_semantics<core_parallel>, #tpu.dimension_semantics<subcore_parallel>], iteration_bounds = array<i64: 2, 16>, scalar_prefetch = 0 : i64, scratch_operands = 3 : i64, tpu.core_type = #tpu.core_type<sc_vector_subcore>, window_params = [{transform_indices = #map}, {transform_indices = #map}, {transform_indices = #map}]} {
    %mul3A = arith.constant 2 : i32
    %mul3A_0 = arith.muli %arg1, %mul3A : i32
    %add3A = arith.addi %mul3A_0, %arg0 : i32
    %mul3A_1 = arith.constant 262144 : i32
    %mul3A_2 = arith.muli %add3A, %mul3A_1 : i32
    %iota3A = tpu.iota {dimensions = array<i32: 0>} : vector<16xi32>
    %add3A_3 = arith.constant 0 : i32
    %add3A_4 = arith.addi %mul3A_2, %add3A_3 : i32
    "tpu.region"() ({
      %run_scoped3A = tpu.sem_alloc : memref<!tpu.dma_semaphore, #tpu.memory_space<semaphore_mem>>
      %dma_start3A = tpu.memref_slice %arg2[%add3A_4] : memref<8388608xi32, #tpu.memory_space<hbm>> -> memref<65536xi32, #tpu.memory_space<hbm>>
      %dma_start3A_43 = tpu.memref_slice %arg2[%add3A_4] : memref<8388608xi32, #tpu.memory_space<hbm>> -> memref<65536xi32, #tpu.memory_space<hbm>>
      tpu.enqueue_dma source(%dma_start3A_43 : memref<65536xi32, #tpu.memory_space<hbm>>) target(%arg5 : memref<65536xi32, #tpu.memory_space<vmem>>) target_semaphore(%run_scoped3A : memref<!tpu.dma_semaphore, #tpu.memory_space<semaphore_mem>>)
      %dma_wait3A = tpu.memref_slice %arg2[%add3A_4] : memref<8388608xi32, #tpu.memory_space<hbm>> -> memref<65536xi32, #tpu.memory_space<hbm>>
      %dma_wait3A_44 = tpu.memref_slice %arg2[%add3A_4] : memref<8388608xi32, #tpu.memory_space<hbm>> -> memref<65536xi32, #tpu.memory_space<hbm>>
      tpu.wait_dma2 semaphore(%run_scoped3A : memref<!tpu.dma_semaphore, #tpu.memory_space<semaphore_mem>>) src(%dma_wait3A_44 : memref<65536xi32, #tpu.memory_space<hbm>>) dst(%arg5 : memref<65536xi32, #tpu.memory_space<vmem>>)
      tpu.yield
    }) : () -> ()
    %scan3A = arith.constant 0 : i32
    %scan3A_5 = arith.constant 0 : i32
    %scan3A_6 = arith.constant 4096 : i32
    %scan3A_7 = arith.addi %scan3A_5, %scan3A_6 : i32
    %scan3A_8 = arith.constant 1 : i32
    %scan3A_9 = scf.for %scan3A_43 = %scan3A_5 to %scan3A_7 step %scan3A_8 iter_args(%scan3A_44 = %scan3A) -> (i32)  : i32 {
      %mul3A_45 = arith.constant 16 : i32
      %mul3A_46 = arith.muli %scan3A_43, %mul3A_45 : i32
      %add3A_47 = vector.broadcast %mul3A_46 : i32 to vector<16xi32>
      %add3A_48 = arith.addi %add3A_47, %iota3A : vector<16xi32>
      %gather3A = tpu.vector_load_idx %arg5[%add3A_48] : memref<65536xi32, #tpu.memory_space<vmem>>[vector<16xi32>], vector<16xi32>,
      %ne3A = arith.constant 0 : i32
      %ne3A_49 = vector.broadcast %ne3A : i32 to vector<16xi32>
      %ne3A_50 = arith.cmpi ne, %gather3A, %ne3A_49 : vector<16xi32>
      %add3A_51 = arith.constant 0 : i32
      %add3A_52 = arith.addi %mul3A_2, %add3A_51 : i32
      %mul3A_53 = arith.constant 16 : i32
      %mul3A_54 = arith.muli %scan3A_43, %mul3A_53 : i32
      %add3A_55 = arith.addi %add3A_52, %mul3A_54 : i32
      %add3A_56 = vector.broadcast %add3A_55 : i32 to vector<16xi32>
      %add3A_57 = arith.addi %add3A_56, %iota3A : vector<16xi32>
      %convert_element_type3A = arith.extui %ne3A_50 : vector<16xi1> to vector<16xi32>
      %broadcast_in_dim3A_58 = arith.constant true
      %broadcast_in_dim3A_59 = vector.broadcast %broadcast_in_dim3A_58 : i1 to vector<16xi1>
      %masked_cumsum3A = tpu.scan <sum>, %convert_element_type3A masked %broadcast_in_dim3A_59 : vector<16xi32>, vector<16xi1> -> vector<16xi32>
      %add3A_60 = vector.broadcast %scan3A_44 : i32 to vector<16xi32>
      %add3A_61 = arith.addi %add3A_60, %masked_cumsum3A : vector<16xi32>
      %sub3A = arith.constant 1 : i32
      %sub3A_62 = vector.broadcast %sub3A : i32 to vector<16xi32>
      %sub3A_63 = arith.subi %add3A_61, %sub3A_62 : vector<16xi32>
      tpu.vector_store_idx %arg6[%sub3A_63], %add3A_57 masked %ne3A_50 : memref<1040xi32, #tpu.memory_space<vmem>>[vector<16xi32>], vector<16xi32>, vector<16xi1>
      %reduce_max3A = arith.constant true
      %reduce_max3A_64 = vector.broadcast %reduce_max3A : i1 to vector<16xi1>
      %reduce_max3A_65 = arith.constant -2147483648 : i32
      %reduce_max3A_66 = vector.broadcast %reduce_max3A_65 : i32 to vector<16xi32>
      %reduce_max3A_67 = arith.xori %masked_cumsum3A, %reduce_max3A_66 : vector<16xi32>
      %reduce_max3A_68 = tpu.scan <max>, %reduce_max3A_67 masked %reduce_max3A_64 : vector<16xi32>, vector<16xi1> -> vector<16xi32>
      %reduce_max3A_69 = arith.xori %reduce_max3A_68, %reduce_max3A_66 : vector<16xi32>
      %reduce_max3A_70 = vector.extract %reduce_max3A_69[15] : i32 from vector<16xi32>
      %add3A_71 = arith.addi %scan3A_44, %reduce_max3A_70 : i32
      %min3A = arith.constant 1024 : i32
      %min3A_72 = arith.minsi %add3A_71, %min3A : i32
      scf.yield %min3A_72 : i32
    }
    %scan3A_10 = arith.constant 4096 : i32
    %add3A_11 = arith.constant 65536 : i32
    %add3A_12 = arith.addi %mul3A_2, %add3A_11 : i32
    "tpu.region"() ({
      %run_scoped3A = tpu.sem_alloc : memref<!tpu.dma_semaphore, #tpu.memory_space<semaphore_mem>>
      %dma_start3A = tpu.memref_slice %arg2[%add3A_12] : memref<8388608xi32, #tpu.memory_space<hbm>> -> memref<65536xi32, #tpu.memory_space<hbm>>
      %dma_start3A_43 = tpu.memref_slice %arg2[%add3A_12] : memref<8388608xi32, #tpu.memory_space<hbm>> -> memref<65536xi32, #tpu.memory_space<hbm>>
      tpu.enqueue_dma source(%dma_start3A_43 : memref<65536xi32, #tpu.memory_space<hbm>>) target(%arg5 : memref<65536xi32, #tpu.memory_space<vmem>>) target_semaphore(%run_scoped3A : memref<!tpu.dma_semaphore, #tpu.memory_space<semaphore_mem>>)
      %dma_wait3A = tpu.memref_slice %arg2[%add3A_12] : memref<8388608xi32, #tpu.memory_space<hbm>> -> memref<65536xi32, #tpu.memory_space<hbm>>
      %dma_wait3A_44 = tpu.memref_slice %arg2[%add3A_12] : memref<8388608xi32, #tpu.memory_space<hbm>> -> memref<65536xi32, #tpu.memory_space<hbm>>
      tpu.wait_dma2 semaphore(%run_scoped3A : memref<!tpu.dma_semaphore, #tpu.memory_space<semaphore_mem>>) src(%dma_wait3A_44 : memref<65536xi32, #tpu.memory_space<hbm>>) dst(%arg5 : memref<65536xi32, #tpu.memory_space<vmem>>)
      tpu.yield
    }) : () -> ()
    %scan3A_13 = arith.constant 0 : i32
    %scan3A_14 = arith.constant 4096 : i32
    %scan3A_15 = arith.addi %scan3A_13, %scan3A_14 : i32
    %scan3A_16 = arith.constant 1 : i32
    %scan3A_17 = scf.for %scan3A_43 = %scan3A_13 to %scan3A_15 step %scan3A_16 iter_args(%scan3A_44 = %scan3A_9) -> (i32)  : i32 {
      %mul3A_45 = arith.constant 16 : i32
      %mul3A_46 = arith.muli %scan3A_43, %mul3A_45 : i32
      %add3A_47 = vector.broadcast %mul3A_46 : i32 to vector<16xi32>
      %add3A_48 = arith.addi %add3A_47, %iota3A : vector<16xi32>
      %gather3A = tpu.vector_load_idx %arg5[%add3A_48] : memref<65536xi32, #tpu.memory_space<vmem>>[vector<16xi32>], vector<16xi32>,
      %ne3A = arith.constant 0 : i32
      %ne3A_49 = vector.broadcast %ne3A : i32 to vector<16xi32>
      %ne3A_50 = arith.cmpi ne, %gather3A, %ne3A_49 : vector<16xi32>
      %add3A_51 = arith.constant 65536 : i32
      %add3A_52 = arith.addi %mul3A_2, %add3A_51 : i32
      %mul3A_53 = arith.constant 16 : i32
      %mul3A_54 = arith.muli %scan3A_43, %mul3A_53 : i32
      %add3A_55 = arith.addi %add3A_52, %mul3A_54 : i32
      %add3A_56 = vector.broadcast %add3A_55 : i32 to vector<16xi32>
      %add3A_57 = arith.addi %add3A_56, %iota3A : vector<16xi32>
      %convert_element_type3A = arith.extui %ne3A_50 : vector<16xi1> to vector<16xi32>
      %broadcast_in_dim3A_58 = arith.constant true
      %broadcast_in_dim3A_59 = vector.broadcast %broadcast_in_dim3A_58 : i1 to vector<16xi1>
      %masked_cumsum3A = tpu.scan <sum>, %convert_element_type3A masked %broadcast_in_dim3A_59 : vector<16xi32>, vector<16xi1> -> vector<16xi32>
      %add3A_60 = vector.broadcast %scan3A_44 : i32 to vector<16xi32>
      %add3A_61 = arith.addi %add3A_60, %masked_cumsum3A : vector<16xi32>
      %sub3A = arith.constant 1 : i32
      %sub3A_62 = vector.broadcast %sub3A : i32 to vector<16xi32>
      %sub3A_63 = arith.subi %add3A_61, %sub3A_62 : vector<16xi32>
      tpu.vector_store_idx %arg6[%sub3A_63], %add3A_57 masked %ne3A_50 : memref<1040xi32, #tpu.memory_space<vmem>>[vector<16xi32>], vector<16xi32>, vector<16xi1>
      %reduce_max3A = arith.constant true
      %reduce_max3A_64 = vector.broadcast %reduce_max3A : i1 to vector<16xi1>
      %reduce_max3A_65 = arith.constant -2147483648 : i32
      %reduce_max3A_66 = vector.broadcast %reduce_max3A_65 : i32 to vector<16xi32>
      %reduce_max3A_67 = arith.xori %masked_cumsum3A, %reduce_max3A_66 : vector<16xi32>
      %reduce_max3A_68 = tpu.scan <max>, %reduce_max3A_67 masked %reduce_max3A_64 : vector<16xi32>, vector<16xi1> -> vector<16xi32>
      %reduce_max3A_69 = arith.xori %reduce_max3A_68, %reduce_max3A_66 : vector<16xi32>
      %reduce_max3A_70 = vector.extract %reduce_max3A_69[15] : i32 from vector<16xi32>
      %add3A_71 = arith.addi %scan3A_44, %reduce_max3A_70 : i32
      %min3A = arith.constant 1024 : i32
      %min3A_72 = arith.minsi %add3A_71, %min3A : i32
      scf.yield %min3A_72 : i32
    }
    %scan3A_18 = arith.constant 4096 : i32
    %add3A_19 = arith.constant 131072 : i32
    %add3A_20 = arith.addi %mul3A_2, %add3A_19 : i32
    "tpu.region"() ({
      %run_scoped3A = tpu.sem_alloc : memref<!tpu.dma_semaphore, #tpu.memory_space<semaphore_mem>>
      %dma_start3A = tpu.memref_slice %arg2[%add3A_20] : memref<8388608xi32, #tpu.memory_space<hbm>> -> memref<65536xi32, #tpu.memory_space<hbm>>
      %dma_start3A_43 = tpu.memref_slice %arg2[%add3A_20] : memref<8388608xi32, #tpu.memory_space<hbm>> -> memref<65536xi32, #tpu.memory_space<hbm>>
      tpu.enqueue_dma source(%dma_start3A_43 : memref<65536xi32, #tpu.memory_space<hbm>>) target(%arg5 : memref<65536xi32, #tpu.memory_space<vmem>>) target_semaphore(%run_scoped3A : memref<!tpu.dma_semaphore, #tpu.memory_space<semaphore_mem>>)
      %dma_wait3A = tpu.memref_slice %arg2[%add3A_20] : memref<8388608xi32, #tpu.memory_space<hbm>> -> memref<65536xi32, #tpu.memory_space<hbm>>
      %dma_wait3A_44 = tpu.memref_slice %arg2[%add3A_20] : memref<8388608xi32, #tpu.memory_space<hbm>> -> memref<65536xi32, #tpu.memory_space<hbm>>
      tpu.wait_dma2 semaphore(%run_scoped3A : memref<!tpu.dma_semaphore, #tpu.memory_space<semaphore_mem>>) src(%dma_wait3A_44 : memref<65536xi32, #tpu.memory_space<hbm>>) dst(%arg5 : memref<65536xi32, #tpu.memory_space<vmem>>)
      tpu.yield
    }) : () -> ()
    %scan3A_21 = arith.constant 0 : i32
    %scan3A_22 = arith.constant 4096 : i32
    %scan3A_23 = arith.addi %scan3A_21, %scan3A_22 : i32
    %scan3A_24 = arith.constant 1 : i32
    %scan3A_25 = scf.for %scan3A_43 = %scan3A_21 to %scan3A_23 step %scan3A_24 iter_args(%scan3A_44 = %scan3A_17) -> (i32)  : i32 {
      %mul3A_45 = arith.constant 16 : i32
      %mul3A_46 = arith.muli %scan3A_43, %mul3A_45 : i32
      %add3A_47 = vector.broadcast %mul3A_46 : i32 to vector<16xi32>
      %add3A_48 = arith.addi %add3A_47, %iota3A : vector<16xi32>
      %gather3A = tpu.vector_load_idx %arg5[%add3A_48] : memref<65536xi32, #tpu.memory_space<vmem>>[vector<16xi32>], vector<16xi32>,
      %ne3A = arith.constant 0 : i32
      %ne3A_49 = vector.broadcast %ne3A : i32 to vector<16xi32>
      %ne3A_50 = arith.cmpi ne, %gather3A, %ne3A_49 : vector<16xi32>
      %add3A_51 = arith.constant 131072 : i32
      %add3A_52 = arith.addi %mul3A_2, %add3A_51 : i32
      %mul3A_53 = arith.constant 16 : i32
      %mul3A_54 = arith.muli %scan3A_43, %mul3A_53 : i32
      %add3A_55 = arith.addi %add3A_52, %mul3A_54 : i32
      %add3A_56 = vector.broadcast %add3A_55 : i32 to vector<16xi32>
      %add3A_57 = arith.addi %add3A_56, %iota3A : vector<16xi32>
      %convert_element_type3A = arith.extui %ne3A_50 : vector<16xi1> to vector<16xi32>
      %broadcast_in_dim3A_58 = arith.constant true
      %broadcast_in_dim3A_59 = vector.broadcast %broadcast_in_dim3A_58 : i1 to vector<16xi1>
      %masked_cumsum3A = tpu.scan <sum>, %convert_element_type3A masked %broadcast_in_dim3A_59 : vector<16xi32>, vector<16xi1> -> vector<16xi32>
      %add3A_60 = vector.broadcast %scan3A_44 : i32 to vector<16xi32>
      %add3A_61 = arith.addi %add3A_60, %masked_cumsum3A : vector<16xi32>
      %sub3A = arith.constant 1 : i32
      %sub3A_62 = vector.broadcast %sub3A : i32 to vector<16xi32>
      %sub3A_63 = arith.subi %add3A_61, %sub3A_62 : vector<16xi32>
      tpu.vector_store_idx %arg6[%sub3A_63], %add3A_57 masked %ne3A_50 : memref<1040xi32, #tpu.memory_space<vmem>>[vector<16xi32>], vector<16xi32>, vector<16xi1>
      %reduce_max3A = arith.constant true
      %reduce_max3A_64 = vector.broadcast %reduce_max3A : i1 to vector<16xi1>
      %reduce_max3A_65 = arith.constant -2147483648 : i32
      %reduce_max3A_66 = vector.broadcast %reduce_max3A_65 : i32 to vector<16xi32>
      %reduce_max3A_67 = arith.xori %masked_cumsum3A, %reduce_max3A_66 : vector<16xi32>
      %reduce_max3A_68 = tpu.scan <max>, %reduce_max3A_67 masked %reduce_max3A_64 : vector<16xi32>, vector<16xi1> -> vector<16xi32>
      %reduce_max3A_69 = arith.xori %reduce_max3A_68, %reduce_max3A_66 : vector<16xi32>
      %reduce_max3A_70 = vector.extract %reduce_max3A_69[15] : i32 from vector<16xi32>
      %add3A_71 = arith.addi %scan3A_44, %reduce_max3A_70 : i32
      %min3A = arith.constant 1024 : i32
      %min3A_72 = arith.minsi %add3A_71, %min3A : i32
      scf.yield %min3A_72 : i32
    }
    %scan3A_26 = arith.constant 4096 : i32
    %add3A_27 = arith.constant 196608 : i32
    %add3A_28 = arith.addi %mul3A_2, %add3A_27 : i32
    "tpu.region"() ({
      %run_scoped3A = tpu.sem_alloc : memref<!tpu.dma_semaphore, #tpu.memory_space<semaphore_mem>>
      %dma_start3A = tpu.memref_slice %arg2[%add3A_28] : memref<8388608xi32, #tpu.memory_space<hbm>> -> memref<65536xi32, #tpu.memory_space<hbm>>
      %dma_start3A_43 = tpu.memref_slice %arg2[%add3A_28] : memref<8388608xi32, #tpu.memory_space<hbm>> -> memref<65536xi32, #tpu.memory_space<hbm>>
      tpu.enqueue_dma source(%dma_start3A_43 : memref<65536xi32, #tpu.memory_space<hbm>>) target(%arg5 : memref<65536xi32, #tpu.memory_space<vmem>>) target_semaphore(%run_scoped3A : memref<!tpu.dma_semaphore, #tpu.memory_space<semaphore_mem>>)
      %dma_wait3A = tpu.memref_slice %arg2[%add3A_28] : memref<8388608xi32, #tpu.memory_space<hbm>> -> memref<65536xi32, #tpu.memory_space<hbm>>
      %dma_wait3A_44 = tpu.memref_slice %arg2[%add3A_28] : memref<8388608xi32, #tpu.memory_space<hbm>> -> memref<65536xi32, #tpu.memory_space<hbm>>
      tpu.wait_dma2 semaphore(%run_scoped3A : memref<!tpu.dma_semaphore, #tpu.memory_space<semaphore_mem>>) src(%dma_wait3A_44 : memref<65536xi32, #tpu.memory_space<hbm>>) dst(%arg5 : memref<65536xi32, #tpu.memory_space<vmem>>)
      tpu.yield
    }) : () -> ()
    %scan3A_29 = arith.constant 0 : i32
    %scan3A_30 = arith.constant 4096 : i32
    %scan3A_31 = arith.addi %scan3A_29, %scan3A_30 : i32
    %scan3A_32 = arith.constant 1 : i32
    %scan3A_33 = scf.for %scan3A_43 = %scan3A_29 to %scan3A_31 step %scan3A_32 iter_args(%scan3A_44 = %scan3A_25) -> (i32)  : i32 {
      %mul3A_45 = arith.constant 16 : i32
      %mul3A_46 = arith.muli %scan3A_43, %mul3A_45 : i32
      %add3A_47 = vector.broadcast %mul3A_46 : i32 to vector<16xi32>
      %add3A_48 = arith.addi %add3A_47, %iota3A : vector<16xi32>
      %gather3A = tpu.vector_load_idx %arg5[%add3A_48] : memref<65536xi32, #tpu.memory_space<vmem>>[vector<16xi32>], vector<16xi32>,
      %ne3A = arith.constant 0 : i32
      %ne3A_49 = vector.broadcast %ne3A : i32 to vector<16xi32>
      %ne3A_50 = arith.cmpi ne, %gather3A, %ne3A_49 : vector<16xi32>
      %add3A_51 = arith.constant 196608 : i32
      %add3A_52 = arith.addi %mul3A_2, %add3A_51 : i32
      %mul3A_53 = arith.constant 16 : i32
      %mul3A_54 = arith.muli %scan3A_43, %mul3A_53 : i32
      %add3A_55 = arith.addi %add3A_52, %mul3A_54 : i32
      %add3A_56 = vector.broadcast %add3A_55 : i32 to vector<16xi32>
      %add3A_57 = arith.addi %add3A_56, %iota3A : vector<16xi32>
      %convert_element_type3A = arith.extui %ne3A_50 : vector<16xi1> to vector<16xi32>
      %broadcast_in_dim3A_58 = arith.constant true
      %broadcast_in_dim3A_59 = vector.broadcast %broadcast_in_dim3A_58 : i1 to vector<16xi1>
      %masked_cumsum3A = tpu.scan <sum>, %convert_element_type3A masked %broadcast_in_dim3A_59 : vector<16xi32>, vector<16xi1> -> vector<16xi32>
      %add3A_60 = vector.broadcast %scan3A_44 : i32 to vector<16xi32>
      %add3A_61 = arith.addi %add3A_60, %masked_cumsum3A : vector<16xi32>
      %sub3A = arith.constant 1 : i32
      %sub3A_62 = vector.broadcast %sub3A : i32 to vector<16xi32>
      %sub3A_63 = arith.subi %add3A_61, %sub3A_62 : vector<16xi32>
      tpu.vector_store_idx %arg6[%sub3A_63], %add3A_57 masked %ne3A_50 : memref<1040xi32, #tpu.memory_space<vmem>>[vector<16xi32>], vector<16xi32>, vector<16xi1>
      %reduce_max3A = arith.constant true
      %reduce_max3A_64 = vector.broadcast %reduce_max3A : i1 to vector<16xi1>
      %reduce_max3A_65 = arith.constant -2147483648 : i32
      %reduce_max3A_66 = vector.broadcast %reduce_max3A_65 : i32 to vector<16xi32>
      %reduce_max3A_67 = arith.xori %masked_cumsum3A, %reduce_max3A_66 : vector<16xi32>
      %reduce_max3A_68 = tpu.scan <max>, %reduce_max3A_67 masked %reduce_max3A_64 : vector<16xi32>, vector<16xi1> -> vector<16xi32>
      %reduce_max3A_69 = arith.xori %reduce_max3A_68, %reduce_max3A_66 : vector<16xi32>
      %reduce_max3A_70 = vector.extract %reduce_max3A_69[15] : i32 from vector<16xi32>
      %add3A_71 = arith.addi %scan3A_44, %reduce_max3A_70 : i32
      %min3A = arith.constant 1024 : i32
      %min3A_72 = arith.minsi %add3A_71, %min3A : i32
      scf.yield %min3A_72 : i32
    }
    %scan3A_34 = arith.constant 4096 : i32
    %mul3A_35 = arith.constant 1024 : i32
    %mul3A_36 = arith.muli %add3A, %mul3A_35 : i32
    "tpu.region"() ({
      %run_scoped3A = tpu.sem_alloc : memref<!tpu.dma_semaphore, #tpu.memory_space<semaphore_mem>>
      %dma_start3A = arith.constant 0 : i32
      %dma_start3A_43 = tpu.memref_slice %arg6[%dma_start3A] : memref<1040xi32, #tpu.memory_space<vmem>> -> memref<1024xi32, #tpu.memory_space<vmem>>
      %dma_start3A_44 = tpu.memref_slice %arg3[%mul3A_36] : memref<32768xi32, #tpu.memory_space<hbm>> -> memref<1024xi32, #tpu.memory_space<hbm>>
      %dma_start3A_45 = tpu.memref_slice %arg3[%mul3A_36] : memref<32768xi32, #tpu.memory_space<hbm>> -> memref<1024xi32, #tpu.memory_space<hbm>>
      %dma_start3A_46 = arith.constant 0 : i32
      %dma_start3A_47 = tpu.memref_slice %arg6[%dma_start3A_46] : memref<1040xi32, #tpu.memory_space<vmem>> -> memref<1024xi32, #tpu.memory_space<vmem>>
      tpu.enqueue_dma source(%dma_start3A_47 : memref<1024xi32, #tpu.memory_space<vmem>>) target(%dma_start3A_45 : memref<1024xi32, #tpu.memory_space<hbm>>) target_semaphore(%run_scoped3A : memref<!tpu.dma_semaphore, #tpu.memory_space<semaphore_mem>>)
      %dma_wait3A = arith.constant 0 : i32
      %dma_wait3A_48 = tpu.memref_slice %arg6[%dma_wait3A] : memref<1040xi32, #tpu.memory_space<vmem>> -> memref<1024xi32, #tpu.memory_space<vmem>>
      %dma_wait3A_49 = tpu.memref_slice %arg3[%mul3A_36] : memref<32768xi32, #tpu.memory_space<hbm>> -> memref<1024xi32, #tpu.memory_space<hbm>>
      %dma_wait3A_50 = tpu.memref_slice %arg3[%mul3A_36] : memref<32768xi32, #tpu.memory_space<hbm>> -> memref<1024xi32, #tpu.memory_space<hbm>>
      %dma_wait3A_51 = arith.constant 0 : i32
      %dma_wait3A_52 = tpu.memref_slice %arg6[%dma_wait3A_51] : memref<1040xi32, #tpu.memory_space<vmem>> -> memref<1024xi32, #tpu.memory_space<vmem>>
      tpu.wait_dma2 semaphore(%run_scoped3A : memref<!tpu.dma_semaphore, #tpu.memory_space<semaphore_mem>>) src(%dma_wait3A_52 : memref<1024xi32, #tpu.memory_space<vmem>>) dst(%dma_wait3A_50 : memref<1024xi32, #tpu.memory_space<hbm>>)
      tpu.yield
    }) : () -> ()
    %broadcast_in_dim3A = arith.constant 0 : i32
    %broadcast_in_dim3A_37 = vector.broadcast %broadcast_in_dim3A : i32 to vector<16xi32>
    %add3A_38 = vector.broadcast %scan3A_33 : i32 to vector<16xi32>
    %add3A_39 = arith.addi %broadcast_in_dim3A_37, %add3A_38 : vector<16xi32>
    %swap3A = arith.constant 0 : index
    %swap3A_40 = tpu.vector_load %arg7[%swap3A] {strides = array<i32>} : memref<16xi32, #tpu.memory_space<vmem>>, vector<16xi32>,
    tpu.vector_store %arg7[%swap3A], %add3A_39 {strides = array<i32>} : memref<16xi32, #tpu.memory_space<vmem>>, vector<16xi32>,
    %mul3A_41 = arith.constant 16 : i32
    %mul3A_42 = arith.muli %add3A, %mul3A_41 : i32
    "tpu.region"() ({
      %run_scoped3A = tpu.sem_alloc : memref<!tpu.dma_semaphore, #tpu.memory_space<semaphore_mem>>
      %dma_start3A = tpu.memref_slice %arg4[%mul3A_42] : memref<512xi32, #tpu.memory_space<hbm>> -> memref<16xi32, #tpu.memory_space<hbm>>
      %dma_start3A_43 = tpu.memref_slice %arg4[%mul3A_42] : memref<512xi32, #tpu.memory_space<hbm>> -> memref<16xi32, #tpu.memory_space<hbm>>
      tpu.enqueue_dma source(%arg7 : memref<16xi32, #tpu.memory_space<vmem>>) target(%dma_start3A_43 : memref<16xi32, #tpu.memory_space<hbm>>) target_semaphore(%run_scoped3A : memref<!tpu.dma_semaphore, #tpu.memory_space<semaphore_mem>>)
      %dma_wait3A = tpu.memref_slice %arg4[%mul3A_42] : memref<512xi32, #tpu.memory_space<hbm>> -> memref<16xi32, #tpu.memory_space<hbm>>
      %dma_wait3A_44 = tpu.memref_slice %arg4[%mul3A_42] : memref<512xi32, #tpu.memory_space<hbm>> -> memref<16xi32, #tpu.memory_space<hbm>>
      tpu.wait_dma2 semaphore(%run_scoped3A : memref<!tpu.dma_semaphore, #tpu.memory_space<semaphore_mem>>) src(%arg7 : memref<16xi32, #tpu.memory_space<vmem>>) dst(%dma_wait3A_44 : memref<16xi32, #tpu.memory_space<hbm>>)
      tpu.yield
    }) : () -> ()
    return
  }
}

module attributes {stable_mosaic.version = 14 : i64} {
  func.func @_graph_kernel(%arg0: i32, %arg1: memref<1024x8xf32, #tpu.memory_space<vmem>>, %arg2: memref<1024x8xf32, #tpu.memory_space<vmem>>, %arg3: memref<1024x1024xi32, #tpu.memory_space<vmem>>, %arg4: memref<1024x8xi32, #tpu.memory_space<vmem>>, %arg5: memref<1024x8xi32, #tpu.memory_space<vmem>>) attributes {dimension_semantics = [#tpu.dimension_semantics<arbitrary>], iteration_bounds = array<i64: 8>, scalar_prefetch = 0 : i64, scratch_operands = 0 : i64, tpu.core_type = #tpu.core_type<tc>, window_params = [{transform_indices = @transform_0, window_bounds = array<i64: 1024, 8>}, {transform_indices = @transform_1, window_bounds = array<i64: 1024, 8>}, {transform_indices = @transform_2, window_bounds = array<i64: 1024, 1024>}, {transform_indices = @transform_3, window_bounds = array<i64: 1024, 8>}, {transform_indices = @transform_4, window_bounds = array<i64: 1024, 8>}]} {
    %get3A = arith.constant 0 : index
    %get3A_0 = arith.constant 0 : index
    %get3A_1 = vector.load %arg1[%get3A, %get3A_0] : memref<1024x8xf32, #tpu.memory_space<vmem>>, vector<1024x8xf32>
    %get3A_2 = arith.constant 0 : index
    %get3A_3 = arith.constant 0 : index
    %get3A_4 = vector.load %arg2[%get3A_2, %get3A_3] : memref<1024x8xf32, #tpu.memory_space<vmem>>, vector<1024x8xf32>
    %mul3A = arith.mulf %get3A_1, %get3A_1 : vector<1024x8xf32>
    %reduce_sum3A = arith.constant dense<0.000000e+00> : vector<1024xf32>
    %reduce_sum3A_5 = vector.multi_reduction <add>, %mul3A, %reduce_sum3A [1] : vector<1024x8xf32> to vector<1024xf32>
    %broadcast_in_dim3A = vector.shape_cast %reduce_sum3A_5 : vector<1024xf32> to vector<1024x1xf32>
    %mul3A_6 = arith.mulf %get3A_4, %get3A_4 : vector<1024x8xf32>
    %reduce_sum3A_7 = arith.constant dense<0.000000e+00> : vector<1024xf32>
    %reduce_sum3A_8 = vector.multi_reduction <add>, %mul3A_6, %reduce_sum3A_7 [1] : vector<1024x8xf32> to vector<1024xf32>
    %broadcast_in_dim3A_9 = vector.shape_cast %reduce_sum3A_8 : vector<1024xf32> to vector<1024x1xf32>
    %convert_element_type3A = arith.truncf %get3A_1 : vector<1024x8xf32> to vector<1024x8xbf16>
    %convert_element_type3A_10 = arith.truncf %get3A_4 : vector<1024x8xf32> to vector<1024x8xbf16>
    %dot_general3A = arith.constant dense<0.000000e+00> : vector<1024x1024xf32>
    %dot_general3A_11 = tpu.matmul %convert_element_type3A, %convert_element_type3A_10, %dot_general3A {dimension_numbers = #tpu.dot_dimension_numbers<[1], [1], [0], [0], [0, 0, 1, 0], [], []>, transpose_lhs_hint = false} : vector<1024x8xbf16>, vector<1024x8xbf16>, vector<1024x1024xf32> -> vector<1024x1024xf32>
    %transpose3A = tpu.transpose %broadcast_in_dim3A_9, [1, 0] : vector<1024x1xf32> -> vector<1x1024xf32>
    %add3A = vector.broadcast %broadcast_in_dim3A : vector<1024x1xf32> to vector<1024x1024xf32>
    %add3A_12 = vector.broadcast %transpose3A : vector<1x1024xf32> to vector<1024x1024xf32>
    %add3A_13 = arith.addf %add3A, %add3A_12 : vector<1024x1024xf32>
    %mul3A_14 = arith.constant 2.000000e+00 : f32
    %mul3A_15 = vector.broadcast %mul3A_14 : f32 to vector<1024x1024xf32>
    %mul3A_16 = arith.mulf %mul3A_15, %dot_general3A_11 : vector<1024x1024xf32>
    %sub3A = arith.subf %add3A_13, %mul3A_16 : vector<1024x1024xf32>
    %max3A = arith.constant 0.000000e+00 : f32
    %max3A_17 = vector.broadcast %max3A : f32 to vector<1024x1024xf32>
    %max3A_18 = arith.maximumf %sub3A, %max3A_17 : vector<1024x1024xf32>
    %le3A = arith.constant 2.025000e+01 : f32
    %le3A_19 = vector.broadcast %le3A : f32 to vector<1024x1024xf32>
    %le3A_20 = arith.cmpf ole, %max3A_18, %le3A_19 : vector<1024x1024xf32>
    %convert_element_type3A_21 = arith.extui %le3A_20 : vector<1024x1024xi1> to vector<1024x1024xi32>
    %swap3A = arith.constant 0 : index
    %swap3A_22 = arith.constant 0 : index
    %swap3A_23 = vector.load %arg3[%swap3A, %swap3A_22] : memref<1024x1024xi32, #tpu.memory_space<vmem>>, vector<1024x1024xi32>
    tpu.vector_store %arg3[%swap3A, %swap3A_22], %convert_element_type3A_21 {strides = array<i32>} : memref<1024x1024xi32, #tpu.memory_space<vmem>>, vector<1024x1024xi32>,
    %mul3A_24 = arith.constant 1024 : i32
    %mul3A_25 = arith.muli %arg0, %mul3A_24 : i32
    %iota3A = tpu.iota {dimensions = array<i32: 1>} : vector<1024x1024xi32>
    %reduce_min3A = arith.constant dense<0x7F800000> : vector<1024xf32>
    %reduce_min3A_26 = vector.multi_reduction <minimumf>, %max3A_18, %reduce_min3A [1] : vector<1024x1024xf32> to vector<1024xf32>
    %broadcast_in_dim3A_27 = vector.shape_cast %reduce_min3A_26 : vector<1024xf32> to vector<1024x1xf32>
    %eq3A = vector.broadcast %broadcast_in_dim3A_27 : vector<1024x1xf32> to vector<1024x1024xf32>
    %eq3A_28 = arith.cmpf oeq, %max3A_18, %eq3A : vector<1024x1024xf32>
    %jit3A = arith.constant 1073741824 : i32
    %broadcast_in_dim3A_29 = vector.broadcast %jit3A : i32 to vector<1024x1024xi32>
    %select_n3A = arith.select %eq3A_28, %iota3A, %broadcast_in_dim3A_29 : vector<1024x1024xi1>, vector<1024x1024xi32>
    %reduce_min3A_30 = arith.constant dense<2147483647> : vector<1024xi32>
    %reduce_min3A_31 = vector.multi_reduction <minsi>, %select_n3A, %reduce_min3A_30 [1] : vector<1024x1024xi32> to vector<1024xi32>
    %broadcast_in_dim3A_32 = vector.shape_cast %reduce_min3A_31 : vector<1024xi32> to vector<1024x1xi32>
    %add3A_33 = vector.broadcast %mul3A_25 : i32 to vector<1024x1xi32>
    %add3A_34 = arith.addi %broadcast_in_dim3A_32, %add3A_33 : vector<1024x1xi32>
    %swap3A_35 = arith.constant 0 : index
    %swap3A_36 = arith.constant 0 : index
    %swap3A_37 = vector.load %arg4[%swap3A_35, %swap3A_36] : memref<1024x8xi32, #tpu.memory_space<vmem>>, vector<1024x1xi32>
    tpu.vector_store %arg4[%swap3A_35, %swap3A_36], %add3A_34 {strides = array<i32>} : memref<1024x8xi32, #tpu.memory_space<vmem>>, vector<1024x1xi32>,
    %eq3A_38 = vector.broadcast %broadcast_in_dim3A_32 : vector<1024x1xi32> to vector<1024x1024xi32>
    %eq3A_39 = arith.cmpi eq, %iota3A, %eq3A_38 : vector<1024x1024xi32>
    %jit3A_40 = arith.constant 0x7F800000 : f32
    %broadcast_in_dim3A_41 = vector.broadcast %jit3A_40 : f32 to vector<1024x1024xf32>
    %select_n3A_42 = arith.select %eq3A_39, %broadcast_in_dim3A_41, %max3A_18 : vector<1024x1024xi1>, vector<1024x1024xf32>
    %reduce_min3A_43 = arith.constant dense<0x7F800000> : vector<1024xf32>
    %reduce_min3A_44 = vector.multi_reduction <minimumf>, %select_n3A_42, %reduce_min3A_43 [1] : vector<1024x1024xf32> to vector<1024xf32>
    %broadcast_in_dim3A_45 = vector.shape_cast %reduce_min3A_44 : vector<1024xf32> to vector<1024x1xf32>
    %eq3A_46 = vector.broadcast %broadcast_in_dim3A_45 : vector<1024x1xf32> to vector<1024x1024xf32>
    %eq3A_47 = arith.cmpf oeq, %select_n3A_42, %eq3A_46 : vector<1024x1024xf32>
    %jit3A_48 = arith.constant 1073741824 : i32
    %broadcast_in_dim3A_49 = vector.broadcast %jit3A_48 : i32 to vector<1024x1024xi32>
    %select_n3A_50 = arith.select %eq3A_47, %iota3A, %broadcast_in_dim3A_49 : vector<1024x1024xi1>, vector<1024x1024xi32>
    %reduce_min3A_51 = arith.constant dense<2147483647> : vector<1024xi32>
    %reduce_min3A_52 = vector.multi_reduction <minsi>, %select_n3A_50, %reduce_min3A_51 [1] : vector<1024x1024xi32> to vector<1024xi32>
    %broadcast_in_dim3A_53 = vector.shape_cast %reduce_min3A_52 : vector<1024xi32> to vector<1024x1xi32>
    %add3A_54 = vector.broadcast %mul3A_25 : i32 to vector<1024x1xi32>
    %add3A_55 = arith.addi %broadcast_in_dim3A_53, %add3A_54 : vector<1024x1xi32>
    %swap3A_56 = arith.constant 0 : index
    %swap3A_57 = arith.constant 1 : index
    %swap3A_58 = vector.load %arg4[%swap3A_56, %swap3A_57] : memref<1024x8xi32, #tpu.memory_space<vmem>>, vector<1024x1xi32>
    tpu.vector_store %arg4[%swap3A_56, %swap3A_57], %add3A_55 {strides = array<i32>} : memref<1024x8xi32, #tpu.memory_space<vmem>>, vector<1024x1xi32>,
    %eq3A_59 = vector.broadcast %broadcast_in_dim3A_53 : vector<1024x1xi32> to vector<1024x1024xi32>
    %eq3A_60 = arith.cmpi eq, %iota3A, %eq3A_59 : vector<1024x1024xi32>
    %jit3A_61 = arith.constant 0x7F800000 : f32
    %broadcast_in_dim3A_62 = vector.broadcast %jit3A_61 : f32 to vector<1024x1024xf32>
    %select_n3A_63 = arith.select %eq3A_60, %broadcast_in_dim3A_62, %select_n3A_42 : vector<1024x1024xi1>, vector<1024x1024xf32>
    %reduce_min3A_64 = arith.constant dense<0x7F800000> : vector<1024xf32>
    %reduce_min3A_65 = vector.multi_reduction <minimumf>, %select_n3A_63, %reduce_min3A_64 [1] : vector<1024x1024xf32> to vector<1024xf32>
    %broadcast_in_dim3A_66 = vector.shape_cast %reduce_min3A_65 : vector<1024xf32> to vector<1024x1xf32>
    %eq3A_67 = vector.broadcast %broadcast_in_dim3A_66 : vector<1024x1xf32> to vector<1024x1024xf32>
    %eq3A_68 = arith.cmpf oeq, %select_n3A_63, %eq3A_67 : vector<1024x1024xf32>
    %jit3A_69 = arith.constant 1073741824 : i32
    %broadcast_in_dim3A_70 = vector.broadcast %jit3A_69 : i32 to vector<1024x1024xi32>
    %select_n3A_71 = arith.select %eq3A_68, %iota3A, %broadcast_in_dim3A_70 : vector<1024x1024xi1>, vector<1024x1024xi32>
    %reduce_min3A_72 = arith.constant dense<2147483647> : vector<1024xi32>
    %reduce_min3A_73 = vector.multi_reduction <minsi>, %select_n3A_71, %reduce_min3A_72 [1] : vector<1024x1024xi32> to vector<1024xi32>
    %broadcast_in_dim3A_74 = vector.shape_cast %reduce_min3A_73 : vector<1024xi32> to vector<1024x1xi32>
    %add3A_75 = vector.broadcast %mul3A_25 : i32 to vector<1024x1xi32>
    %add3A_76 = arith.addi %broadcast_in_dim3A_74, %add3A_75 : vector<1024x1xi32>
    %swap3A_77 = arith.constant 0 : index
    %swap3A_78 = arith.constant 2 : index
    %swap3A_79 = vector.load %arg4[%swap3A_77, %swap3A_78] : memref<1024x8xi32, #tpu.memory_space<vmem>>, vector<1024x1xi32>
    tpu.vector_store %arg4[%swap3A_77, %swap3A_78], %add3A_76 {strides = array<i32>} : memref<1024x8xi32, #tpu.memory_space<vmem>>, vector<1024x1xi32>,
    %dot_general3A_80 = arith.constant dense<0.000000e+00> : vector<1024x1024xf32>
    %dot_general3A_81 = tpu.matmul %convert_element_type3A_10, %convert_element_type3A, %dot_general3A_80 {dimension_numbers = #tpu.dot_dimension_numbers<[1], [1], [0], [0], [0, 0, 1, 0], [], []>, transpose_lhs_hint = false} : vector<1024x8xbf16>, vector<1024x8xbf16>, vector<1024x1024xf32> -> vector<1024x1024xf32>
    %transpose3A_82 = tpu.transpose %broadcast_in_dim3A, [1, 0] : vector<1024x1xf32> -> vector<1x1024xf32>
    %add3A_83 = vector.broadcast %broadcast_in_dim3A_9 : vector<1024x1xf32> to vector<1024x1024xf32>
    %add3A_84 = vector.broadcast %transpose3A_82 : vector<1x1024xf32> to vector<1024x1024xf32>
    %add3A_85 = arith.addf %add3A_83, %add3A_84 : vector<1024x1024xf32>
    %mul3A_86 = arith.constant 2.000000e+00 : f32
    %mul3A_87 = vector.broadcast %mul3A_86 : f32 to vector<1024x1024xf32>
    %mul3A_88 = arith.mulf %mul3A_87, %dot_general3A_81 : vector<1024x1024xf32>
    %sub3A_89 = arith.subf %add3A_85, %mul3A_88 : vector<1024x1024xf32>
    %max3A_90 = arith.constant 0.000000e+00 : f32
    %max3A_91 = vector.broadcast %max3A_90 : f32 to vector<1024x1024xf32>
    %max3A_92 = arith.maximumf %sub3A_89, %max3A_91 : vector<1024x1024xf32>
    %mul3A_93 = arith.constant 1024 : i32
    %mul3A_94 = arith.muli %arg0, %mul3A_93 : i32
    %iota3A_95 = tpu.iota {dimensions = array<i32: 1>} : vector<1024x1024xi32>
    %reduce_min3A_96 = arith.constant dense<0x7F800000> : vector<1024xf32>
    %reduce_min3A_97 = vector.multi_reduction <minimumf>, %max3A_92, %reduce_min3A_96 [1] : vector<1024x1024xf32> to vector<1024xf32>
    %broadcast_in_dim3A_98 = vector.shape_cast %reduce_min3A_97 : vector<1024xf32> to vector<1024x1xf32>
    %eq3A_99 = vector.broadcast %broadcast_in_dim3A_98 : vector<1024x1xf32> to vector<1024x1024xf32>
    %eq3A_100 = arith.cmpf oeq, %max3A_92, %eq3A_99 : vector<1024x1024xf32>
    %jit3A_101 = arith.constant 1073741824 : i32
    %broadcast_in_dim3A_102 = vector.broadcast %jit3A_101 : i32 to vector<1024x1024xi32>
    %select_n3A_103 = arith.select %eq3A_100, %iota3A_95, %broadcast_in_dim3A_102 : vector<1024x1024xi1>, vector<1024x1024xi32>
    %reduce_min3A_104 = arith.constant dense<2147483647> : vector<1024xi32>
    %reduce_min3A_105 = vector.multi_reduction <minsi>, %select_n3A_103, %reduce_min3A_104 [1] : vector<1024x1024xi32> to vector<1024xi32>
    %broadcast_in_dim3A_106 = vector.shape_cast %reduce_min3A_105 : vector<1024xi32> to vector<1024x1xi32>
    %add3A_107 = vector.broadcast %mul3A_94 : i32 to vector<1024x1xi32>
    %add3A_108 = arith.addi %broadcast_in_dim3A_106, %add3A_107 : vector<1024x1xi32>
    %swap3A_109 = arith.constant 0 : index
    %swap3A_110 = arith.constant 0 : index
    %swap3A_111 = vector.load %arg5[%swap3A_109, %swap3A_110] : memref<1024x8xi32, #tpu.memory_space<vmem>>, vector<1024x1xi32>
    tpu.vector_store %arg5[%swap3A_109, %swap3A_110], %add3A_108 {strides = array<i32>} : memref<1024x8xi32, #tpu.memory_space<vmem>>, vector<1024x1xi32>,
    %eq3A_112 = vector.broadcast %broadcast_in_dim3A_106 : vector<1024x1xi32> to vector<1024x1024xi32>
    %eq3A_113 = arith.cmpi eq, %iota3A_95, %eq3A_112 : vector<1024x1024xi32>
    %jit3A_114 = arith.constant 0x7F800000 : f32
    %broadcast_in_dim3A_115 = vector.broadcast %jit3A_114 : f32 to vector<1024x1024xf32>
    %select_n3A_116 = arith.select %eq3A_113, %broadcast_in_dim3A_115, %max3A_92 : vector<1024x1024xi1>, vector<1024x1024xf32>
    %reduce_min3A_117 = arith.constant dense<0x7F800000> : vector<1024xf32>
    %reduce_min3A_118 = vector.multi_reduction <minimumf>, %select_n3A_116, %reduce_min3A_117 [1] : vector<1024x1024xf32> to vector<1024xf32>
    %broadcast_in_dim3A_119 = vector.shape_cast %reduce_min3A_118 : vector<1024xf32> to vector<1024x1xf32>
    %eq3A_120 = vector.broadcast %broadcast_in_dim3A_119 : vector<1024x1xf32> to vector<1024x1024xf32>
    %eq3A_121 = arith.cmpf oeq, %select_n3A_116, %eq3A_120 : vector<1024x1024xf32>
    %jit3A_122 = arith.constant 1073741824 : i32
    %broadcast_in_dim3A_123 = vector.broadcast %jit3A_122 : i32 to vector<1024x1024xi32>
    %select_n3A_124 = arith.select %eq3A_121, %iota3A_95, %broadcast_in_dim3A_123 : vector<1024x1024xi1>, vector<1024x1024xi32>
    %reduce_min3A_125 = arith.constant dense<2147483647> : vector<1024xi32>
    %reduce_min3A_126 = vector.multi_reduction <minsi>, %select_n3A_124, %reduce_min3A_125 [1] : vector<1024x1024xi32> to vector<1024xi32>
    %broadcast_in_dim3A_127 = vector.shape_cast %reduce_min3A_126 : vector<1024xi32> to vector<1024x1xi32>
    %add3A_128 = vector.broadcast %mul3A_94 : i32 to vector<1024x1xi32>
    %add3A_129 = arith.addi %broadcast_in_dim3A_127, %add3A_128 : vector<1024x1xi32>
    %swap3A_130 = arith.constant 0 : index
    %swap3A_131 = arith.constant 1 : index
    %swap3A_132 = vector.load %arg5[%swap3A_130, %swap3A_131] : memref<1024x8xi32, #tpu.memory_space<vmem>>, vector<1024x1xi32>
    tpu.vector_store %arg5[%swap3A_130, %swap3A_131], %add3A_129 {strides = array<i32>} : memref<1024x8xi32, #tpu.memory_space<vmem>>, vector<1024x1xi32>,
    %eq3A_133 = vector.broadcast %broadcast_in_dim3A_127 : vector<1024x1xi32> to vector<1024x1024xi32>
    %eq3A_134 = arith.cmpi eq, %iota3A_95, %eq3A_133 : vector<1024x1024xi32>
    %jit3A_135 = arith.constant 0x7F800000 : f32
    %broadcast_in_dim3A_136 = vector.broadcast %jit3A_135 : f32 to vector<1024x1024xf32>
    %select_n3A_137 = arith.select %eq3A_134, %broadcast_in_dim3A_136, %select_n3A_116 : vector<1024x1024xi1>, vector<1024x1024xf32>
    %reduce_min3A_138 = arith.constant dense<0x7F800000> : vector<1024xf32>
    %reduce_min3A_139 = vector.multi_reduction <minimumf>, %select_n3A_137, %reduce_min3A_138 [1] : vector<1024x1024xf32> to vector<1024xf32>
    %broadcast_in_dim3A_140 = vector.shape_cast %reduce_min3A_139 : vector<1024xf32> to vector<1024x1xf32>
    %eq3A_141 = vector.broadcast %broadcast_in_dim3A_140 : vector<1024x1xf32> to vector<1024x1024xf32>
    %eq3A_142 = arith.cmpf oeq, %select_n3A_137, %eq3A_141 : vector<1024x1024xf32>
    %jit3A_143 = arith.constant 1073741824 : i32
    %broadcast_in_dim3A_144 = vector.broadcast %jit3A_143 : i32 to vector<1024x1024xi32>
    %select_n3A_145 = arith.select %eq3A_142, %iota3A_95, %broadcast_in_dim3A_144 : vector<1024x1024xi1>, vector<1024x1024xi32>
    %reduce_min3A_146 = arith.constant dense<2147483647> : vector<1024xi32>
    %reduce_min3A_147 = vector.multi_reduction <minsi>, %select_n3A_145, %reduce_min3A_146 [1] : vector<1024x1024xi32> to vector<1024xi32>
    %broadcast_in_dim3A_148 = vector.shape_cast %reduce_min3A_147 : vector<1024xi32> to vector<1024x1xi32>
    %add3A_149 = vector.broadcast %mul3A_94 : i32 to vector<1024x1xi32>
    %add3A_150 = arith.addi %broadcast_in_dim3A_148, %add3A_149 : vector<1024x1xi32>
    %swap3A_151 = arith.constant 0 : index
    %swap3A_152 = arith.constant 2 : index
    %swap3A_153 = vector.load %arg5[%swap3A_151, %swap3A_152] : memref<1024x8xi32, #tpu.memory_space<vmem>>, vector<1024x1xi32>
    tpu.vector_store %arg5[%swap3A_151, %swap3A_152], %add3A_150 {strides = array<i32>} : memref<1024x8xi32, #tpu.memory_space<vmem>>, vector<1024x1xi32>,
    return
  }
  func.func @transform_0(%arg0: i32) -> (i32, i32) {
    %c0_i32 = arith.constant 0 : i32
    %c0_i32_0 = arith.constant 0 : i32
    return %arg0, %c0_i32 : i32, i32
  }
  func.func @transform_1(%arg0: i32) -> (i32, i32) {
    %c0_i32 = arith.constant 0 : i32
    %c0_i32_0 = arith.constant 0 : i32
    return %arg0, %c0_i32 : i32, i32
  }
  func.func @transform_2(%arg0: i32) -> (i32, i32) {
    %c0_i32 = arith.constant 0 : i32
    %c0_i32_0 = arith.constant 0 : i32
    return %arg0, %c0_i32 : i32, i32
  }
  func.func @transform_3(%arg0: i32) -> (i32, i32) {
    %c0_i32 = arith.constant 0 : i32
    %c0_i32_0 = arith.constant 0 : i32
    return %arg0, %c0_i32 : i32, i32
  }
  func.func @transform_4(%arg0: i32) -> (i32, i32) {
    %c0_i32 = arith.constant 0 : i32
    %c0_i32_0 = arith.constant 0 : i32
    return %arg0, %c0_i32 : i32, i32
  }
}

module attributes {stable_mosaic.version = 14 : i64} {
  func.func @_matmul_bias_kernel(%arg0: i32, %arg1: memref<1024x256xf32, #tpu.memory_space<vmem>>, %arg2: memref<256x256xf32, #tpu.memory_space<vmem>>, %arg3: memref<1x256xf32, #tpu.memory_space<vmem>>, %arg4: memref<1024x256xf32, #tpu.memory_space<vmem>>) attributes {dimension_semantics = [#tpu.dimension_semantics<arbitrary>], iteration_bounds = array<i64: 8>, scalar_prefetch = 0 : i64, scratch_operands = 0 : i64, tpu.core_type = #tpu.core_type<tc>, window_params = [{transform_indices = @transform_0, window_bounds = array<i64: 1024, 256>}, {pipeline_mode = #tpu.pipeline_mode<synchronous>, transform_indices = @transform_1, window_bounds = array<i64: 256, 256>}, {pipeline_mode = #tpu.pipeline_mode<synchronous>, transform_indices = @transform_2, window_bounds = array<i64: 1, 256>}, {transform_indices = @transform_3, window_bounds = array<i64: 1024, 256>}]} {
    %get3A = arith.constant 0 : index
    %get3A_0 = arith.constant 0 : index
    %get3A_1 = vector.load %arg1[%get3A, %get3A_0] : memref<1024x256xf32, #tpu.memory_space<vmem>>, vector<1024x256xf32>
    %get3A_2 = arith.constant 0 : index
    %get3A_3 = arith.constant 0 : index
    %get3A_4 = vector.load %arg2[%get3A_2, %get3A_3] : memref<256x256xf32, #tpu.memory_space<vmem>>, vector<256x256xf32>
    %convert_element_type3A = arith.truncf %get3A_1 : vector<1024x256xf32> to vector<1024x256xbf16>
    %convert_element_type3A_5 = arith.truncf %get3A_4 : vector<256x256xf32> to vector<256x256xbf16>
    %dot_general3A = arith.constant dense<0.000000e+00> : vector<1024x256xf32>
    %dot_general3A_6 = tpu.matmul %convert_element_type3A, %convert_element_type3A_5, %dot_general3A {dimension_numbers = #tpu.dot_dimension_numbers<[1], [0], [0], [1], [0, 0, 1, 1], [], []>, transpose_lhs_hint = false} : vector<1024x256xbf16>, vector<256x256xbf16>, vector<1024x256xf32> -> vector<1024x256xf32>
    %get3A_7 = arith.constant 0 : index
    %get3A_8 = arith.constant 0 : index
    %get3A_9 = vector.load %arg3[%get3A_7, %get3A_8] : memref<1x256xf32, #tpu.memory_space<vmem>>, vector<1x256xf32>
    %add3A = vector.broadcast %get3A_9 : vector<1x256xf32> to vector<1024x256xf32>
    %add3A_10 = arith.addf %dot_general3A_6, %add3A : vector<1024x256xf32>
    %swap3A = arith.constant 0 : index
    %swap3A_11 = arith.constant 0 : index
    %swap3A_12 = vector.load %arg4[%swap3A, %swap3A_11] : memref<1024x256xf32, #tpu.memory_space<vmem>>, vector<1024x256xf32>
    tpu.vector_store %arg4[%swap3A, %swap3A_11], %add3A_10 {strides = array<i32>} : memref<1024x256xf32, #tpu.memory_space<vmem>>, vector<1024x256xf32>,
    return
  }
  func.func @transform_0(%arg0: i32) -> (i32, i32) {
    %c0_i32 = arith.constant 0 : i32
    %c0_i32_0 = arith.constant 0 : i32
    return %arg0, %c0_i32 : i32, i32
  }
  func.func @transform_1(%arg0: i32) -> (i32, i32) {
    %c0_i32 = arith.constant 0 : i32
    %c0_i32_0 = arith.constant 0 : i32
    %c0_i32_1 = arith.constant 0 : i32
    return %c0_i32, %c0_i32_0 : i32, i32
  }
  func.func @transform_2(%arg0: i32) -> (i32, i32) {
    %c0_i32 = arith.constant 0 : i32
    %c0_i32_0 = arith.constant 0 : i32
    %c0_i32_1 = arith.constant 0 : i32
    return %c0_i32, %c0_i32_0 : i32, i32
  }
  func.func @transform_3(%arg0: i32) -> (i32, i32) {
    %c0_i32 = arith.constant 0 : i32
    %c0_i32_0 = arith.constant 0 : i32
    return %arg0, %c0_i32 : i32, i32
  }
}

module attributes {stable_mosaic.version = 14 : i64} {
  func.func @_s1_kernel(%arg0: i32, %arg1: memref<1024x256xf32, #tpu.memory_space<vmem>>, %arg2: memref<1024x3xf32, #tpu.memory_space<vmem>>, %arg3: memref<1024x3xf32, #tpu.memory_space<vmem>>, %arg4: memref<1024x3xi32, #tpu.memory_space<vmem>>, %arg5: memref<1x256xf32, #tpu.memory_space<vmem>>, %arg6: memref<256x256xf32, #tpu.memory_space<vmem>>, %arg7: memref<1x256xf32, #tpu.memory_space<vmem>>, %arg8: memref<1024x256xf32, #tpu.memory_space<vmem>>, %arg9: memref<1024x1xf32, #tpu.memory_space<vmem>>) attributes {dimension_semantics = [#tpu.dimension_semantics<arbitrary>], iteration_bounds = array<i64: 8>, scalar_prefetch = 0 : i64, scratch_operands = 0 : i64, tpu.core_type = #tpu.core_type<tc>, window_params = [{transform_indices = @transform_0, window_bounds = array<i64: 1024, 256>}, {transform_indices = @transform_1, window_bounds = array<i64: 1024, 3>}, {transform_indices = @transform_2, window_bounds = array<i64: 1024, 3>}, {transform_indices = @transform_3, window_bounds = array<i64: 1024, 3>}, {pipeline_mode = #tpu.pipeline_mode<synchronous>, transform_indices = @transform_4, window_bounds = array<i64: 1, 256>}, {pipeline_mode = #tpu.pipeline_mode<synchronous>, transform_indices = @transform_5, window_bounds = array<i64: 256, 256>}, {pipeline_mode = #tpu.pipeline_mode<synchronous>, transform_indices = @transform_6, window_bounds = array<i64: 1, 256>}, {transform_indices = @transform_7, window_bounds = array<i64: 1024, 256>}, {transform_indices = @transform_8, window_bounds = array<i64: 1024, 1>}]} {
    %get3A = arith.constant 0 : index
    %get3A_0 = arith.constant 0 : index
    %get3A_1 = vector.load %arg1[%get3A, %get3A_0] : memref<1024x256xf32, #tpu.memory_space<vmem>>, vector<1024x256xf32>
    %get3A_2 = arith.constant 0 : index
    %get3A_3 = arith.constant 0 : index
    %get3A_4 = vector.load %arg5[%get3A_2, %get3A_3] : memref<1x256xf32, #tpu.memory_space<vmem>>, vector<1x256xf32>
    %broadcast_in_dim3A = arith.constant 0.000000e+00 : f32
    %broadcast_in_dim3A_5 = vector.broadcast %broadcast_in_dim3A : f32 to vector<1024x256xf32>
    %broadcast_in_dim3A_6 = arith.constant 0.000000e+00 : f32
    %broadcast_in_dim3A_7 = vector.broadcast %broadcast_in_dim3A_6 : f32 to vector<1024x1xf32>
    %get3A_8 = arith.constant 0 : index
    %get3A_9 = arith.constant 0 : index
    %get3A_10 = vector.load %arg2[%get3A_8, %get3A_9] : memref<1024x3xf32, #tpu.memory_space<vmem>>, vector<1024x1xf32>
    %sqrt3A = math.sqrt %get3A_10 : vector<1024x1xf32>
    %get3A_11 = arith.constant 0 : index
    %get3A_12 = arith.constant 0 : index
    %get3A_13 = vector.load %arg3[%get3A_11, %get3A_12] : memref<1024x3xf32, #tpu.memory_space<vmem>>, vector<1024x1xf32>
    %mul3A = vector.broadcast %sqrt3A : vector<1024x1xf32> to vector<1024x256xf32>
    %mul3A_14 = vector.broadcast %get3A_4 : vector<1x256xf32> to vector<1024x256xf32>
    %mul3A_15 = arith.mulf %mul3A, %mul3A_14 : vector<1024x256xf32>
    %add3A = arith.addf %get3A_1, %mul3A_15 : vector<1024x256xf32>
    %get3A_16 = arith.constant 0 : index
    %get3A_17 = arith.constant 0 : index
    %get3A_18 = vector.load %arg6[%get3A_16, %get3A_17] : memref<256x256xf32, #tpu.memory_space<vmem>>, vector<256x256xf32>
    %get3A_19 = arith.constant 0 : index
    %get3A_20 = arith.constant 0 : index
    %get3A_21 = vector.load %arg7[%get3A_19, %get3A_20] : memref<1x256xf32, #tpu.memory_space<vmem>>, vector<1x256xf32>
    %max3A = arith.constant 0.000000e+00 : f32
    %max3A_22 = vector.broadcast %max3A : f32 to vector<1024x256xf32>
    %max3A_23 = arith.maximumf %add3A, %max3A_22 : vector<1024x256xf32>
    %convert_element_type3A = arith.truncf %max3A_23 : vector<1024x256xf32> to vector<1024x256xbf16>
    %convert_element_type3A_24 = arith.truncf %get3A_18 : vector<256x256xf32> to vector<256x256xbf16>
    %dot_general3A = arith.constant dense<0.000000e+00> : vector<1024x256xf32>
    %dot_general3A_25 = tpu.matmul %convert_element_type3A, %convert_element_type3A_24, %dot_general3A {dimension_numbers = #tpu.dot_dimension_numbers<[1], [0], [0], [1], [0, 0, 1, 1], [], []>, transpose_lhs_hint = false} : vector<1024x256xbf16>, vector<256x256xbf16>, vector<1024x256xf32> -> vector<1024x256xf32>
    %add3A_26 = vector.broadcast %get3A_21 : vector<1x256xf32> to vector<1024x256xf32>
    %add3A_27 = arith.addf %dot_general3A_25, %add3A_26 : vector<1024x256xf32>
    %max3A_28 = arith.constant 0.000000e+00 : f32
    %max3A_29 = vector.broadcast %max3A_28 : f32 to vector<1024x256xf32>
    %max3A_30 = arith.maximumf %add3A_27, %max3A_29 : vector<1024x256xf32>
    %mul3A_31 = vector.broadcast %get3A_13 : vector<1024x1xf32> to vector<1024x256xf32>
    %mul3A_32 = arith.mulf %max3A_30, %mul3A_31 : vector<1024x256xf32>
    %get3A_33 = arith.constant 0 : index
    %get3A_34 = arith.constant 0 : index
    %get3A_35 = vector.load %arg4[%get3A_33, %get3A_34] : memref<1024x3xi32, #tpu.memory_space<vmem>>, vector<1024x1xi32>
    %iota3A = tpu.iota {dimensions = array<i32: 1>} : vector<1024x1024xi32>
    %eq3A = vector.broadcast %get3A_35 : vector<1024x1xi32> to vector<1024x1024xi32>
    %eq3A_36 = arith.cmpi eq, %eq3A, %iota3A : vector<1024x1024xi32>
    %convert_element_type3A_37 = arith.extui %eq3A_36 : vector<1024x1024xi1> to vector<1024x1024xi32>
    %convert_element_type3A_38 = arith.sitofp %convert_element_type3A_37 : vector<1024x1024xi32> to vector<1024x1024xf32>
    %convert_element_type3A_39 = arith.truncf %convert_element_type3A_38 : vector<1024x1024xf32> to vector<1024x1024xbf16>
    %convert_element_type3A_40 = arith.truncf %mul3A_32 : vector<1024x256xf32> to vector<1024x256xbf16>
    %dot_general3A_41 = arith.constant dense<0.000000e+00> : vector<1024x256xf32>
    %dot_general3A_42 = tpu.matmul %convert_element_type3A_39, %convert_element_type3A_40, %dot_general3A_41 {dimension_numbers = #tpu.dot_dimension_numbers<[0], [0], [1], [1], [0, 1, 1, 1], [], []>, transpose_lhs_hint = false} : vector<1024x1024xbf16>, vector<1024x256xbf16>, vector<1024x256xf32> -> vector<1024x256xf32>
    %add3A_43 = arith.addf %broadcast_in_dim3A_5, %dot_general3A_42 : vector<1024x256xf32>
    %iota3A_44 = tpu.iota {dimensions = array<i32: 1>} : vector<1024x1024xi32>
    %eq3A_45 = vector.broadcast %get3A_35 : vector<1024x1xi32> to vector<1024x1024xi32>
    %eq3A_46 = arith.cmpi eq, %eq3A_45, %iota3A_44 : vector<1024x1024xi32>
    %convert_element_type3A_47 = arith.extui %eq3A_46 : vector<1024x1024xi1> to vector<1024x1024xi32>
    %convert_element_type3A_48 = arith.sitofp %convert_element_type3A_47 : vector<1024x1024xi32> to vector<1024x1024xf32>
    %convert_element_type3A_49 = arith.truncf %convert_element_type3A_48 : vector<1024x1024xf32> to vector<1024x1024xbf16>
    %convert_element_type3A_50 = arith.truncf %get3A_13 : vector<1024x1xf32> to vector<1024x1xbf16>
    %dot_general3A_51 = arith.constant dense<0.000000e+00> : vector<1024x1xf32>
    %dot_general3A_52 = tpu.matmul %convert_element_type3A_49, %convert_element_type3A_50, %dot_general3A_51 {dimension_numbers = #tpu.dot_dimension_numbers<[0], [0], [1], [1], [0, 1, 1, 1], [], []>, transpose_lhs_hint = false} : vector<1024x1024xbf16>, vector<1024x1xbf16>, vector<1024x1xf32> -> vector<1024x1xf32>
    %add3A_53 = arith.addf %broadcast_in_dim3A_7, %dot_general3A_52 : vector<1024x1xf32>
    %get3A_54 = arith.constant 0 : index
    %get3A_55 = arith.constant 1 : index
    %get3A_56 = vector.load %arg2[%get3A_54, %get3A_55] : memref<1024x3xf32, #tpu.memory_space<vmem>>, vector<1024x1xf32>
    %sqrt3A_57 = math.sqrt %get3A_56 : vector<1024x1xf32>
    %get3A_58 = arith.constant 0 : index
    %get3A_59 = arith.constant 1 : index
    %get3A_60 = vector.load %arg3[%get3A_58, %get3A_59] : memref<1024x3xf32, #tpu.memory_space<vmem>>, vector<1024x1xf32>
    %mul3A_61 = vector.broadcast %sqrt3A_57 : vector<1024x1xf32> to vector<1024x256xf32>
    %mul3A_62 = vector.broadcast %get3A_4 : vector<1x256xf32> to vector<1024x256xf32>
    %mul3A_63 = arith.mulf %mul3A_61, %mul3A_62 : vector<1024x256xf32>
    %add3A_64 = arith.addf %get3A_1, %mul3A_63 : vector<1024x256xf32>
    %get3A_65 = arith.constant 0 : index
    %get3A_66 = arith.constant 0 : index
    %get3A_67 = vector.load %arg6[%get3A_65, %get3A_66] : memref<256x256xf32, #tpu.memory_space<vmem>>, vector<256x256xf32>
    %get3A_68 = arith.constant 0 : index
    %get3A_69 = arith.constant 0 : index
    %get3A_70 = vector.load %arg7[%get3A_68, %get3A_69] : memref<1x256xf32, #tpu.memory_space<vmem>>, vector<1x256xf32>
    %max3A_71 = arith.constant 0.000000e+00 : f32
    %max3A_72 = vector.broadcast %max3A_71 : f32 to vector<1024x256xf32>
    %max3A_73 = arith.maximumf %add3A_64, %max3A_72 : vector<1024x256xf32>
    %convert_element_type3A_74 = arith.truncf %max3A_73 : vector<1024x256xf32> to vector<1024x256xbf16>
    %convert_element_type3A_75 = arith.truncf %get3A_67 : vector<256x256xf32> to vector<256x256xbf16>
    %dot_general3A_76 = arith.constant dense<0.000000e+00> : vector<1024x256xf32>
    %dot_general3A_77 = tpu.matmul %convert_element_type3A_74, %convert_element_type3A_75, %dot_general3A_76 {dimension_numbers = #tpu.dot_dimension_numbers<[1], [0], [0], [1], [0, 0, 1, 1], [], []>, transpose_lhs_hint = false} : vector<1024x256xbf16>, vector<256x256xbf16>, vector<1024x256xf32> -> vector<1024x256xf32>
    %add3A_78 = vector.broadcast %get3A_70 : vector<1x256xf32> to vector<1024x256xf32>
    %add3A_79 = arith.addf %dot_general3A_77, %add3A_78 : vector<1024x256xf32>
    %max3A_80 = arith.constant 0.000000e+00 : f32
    %max3A_81 = vector.broadcast %max3A_80 : f32 to vector<1024x256xf32>
    %max3A_82 = arith.maximumf %add3A_79, %max3A_81 : vector<1024x256xf32>
    %mul3A_83 = vector.broadcast %get3A_60 : vector<1024x1xf32> to vector<1024x256xf32>
    %mul3A_84 = arith.mulf %max3A_82, %mul3A_83 : vector<1024x256xf32>
    %get3A_85 = arith.constant 0 : index
    %get3A_86 = arith.constant 1 : index
    %get3A_87 = vector.load %arg4[%get3A_85, %get3A_86] : memref<1024x3xi32, #tpu.memory_space<vmem>>, vector<1024x1xi32>
    %iota3A_88 = tpu.iota {dimensions = array<i32: 1>} : vector<1024x1024xi32>
    %eq3A_89 = vector.broadcast %get3A_87 : vector<1024x1xi32> to vector<1024x1024xi32>
    %eq3A_90 = arith.cmpi eq, %eq3A_89, %iota3A_88 : vector<1024x1024xi32>
    %convert_element_type3A_91 = arith.extui %eq3A_90 : vector<1024x1024xi1> to vector<1024x1024xi32>
    %convert_element_type3A_92 = arith.sitofp %convert_element_type3A_91 : vector<1024x1024xi32> to vector<1024x1024xf32>
    %convert_element_type3A_93 = arith.truncf %convert_element_type3A_92 : vector<1024x1024xf32> to vector<1024x1024xbf16>
    %convert_element_type3A_94 = arith.truncf %mul3A_84 : vector<1024x256xf32> to vector<1024x256xbf16>
    %dot_general3A_95 = arith.constant dense<0.000000e+00> : vector<1024x256xf32>
    %dot_general3A_96 = tpu.matmul %convert_element_type3A_93, %convert_element_type3A_94, %dot_general3A_95 {dimension_numbers = #tpu.dot_dimension_numbers<[0], [0], [1], [1], [0, 1, 1, 1], [], []>, transpose_lhs_hint = false} : vector<1024x1024xbf16>, vector<1024x256xbf16>, vector<1024x256xf32> -> vector<1024x256xf32>
    %add3A_97 = arith.addf %add3A_43, %dot_general3A_96 : vector<1024x256xf32>
    %iota3A_98 = tpu.iota {dimensions = array<i32: 1>} : vector<1024x1024xi32>
    %eq3A_99 = vector.broadcast %get3A_87 : vector<1024x1xi32> to vector<1024x1024xi32>
    %eq3A_100 = arith.cmpi eq, %eq3A_99, %iota3A_98 : vector<1024x1024xi32>
    %convert_element_type3A_101 = arith.extui %eq3A_100 : vector<1024x1024xi1> to vector<1024x1024xi32>
    %convert_element_type3A_102 = arith.sitofp %convert_element_type3A_101 : vector<1024x1024xi32> to vector<1024x1024xf32>
    %convert_element_type3A_103 = arith.truncf %convert_element_type3A_102 : vector<1024x1024xf32> to vector<1024x1024xbf16>
    %convert_element_type3A_104 = arith.truncf %get3A_60 : vector<1024x1xf32> to vector<1024x1xbf16>
    %dot_general3A_105 = arith.constant dense<0.000000e+00> : vector<1024x1xf32>
    %dot_general3A_106 = tpu.matmul %convert_element_type3A_103, %convert_element_type3A_104, %dot_general3A_105 {dimension_numbers = #tpu.dot_dimension_numbers<[0], [0], [1], [1], [0, 1, 1, 1], [], []>, transpose_lhs_hint = false} : vector<1024x1024xbf16>, vector<1024x1xbf16>, vector<1024x1xf32> -> vector<1024x1xf32>
    %add3A_107 = arith.addf %add3A_53, %dot_general3A_106 : vector<1024x1xf32>
    %get3A_108 = arith.constant 0 : index
    %get3A_109 = arith.constant 2 : index
    %get3A_110 = vector.load %arg2[%get3A_108, %get3A_109] : memref<1024x3xf32, #tpu.memory_space<vmem>>, vector<1024x1xf32>
    %sqrt3A_111 = math.sqrt %get3A_110 : vector<1024x1xf32>
    %get3A_112 = arith.constant 0 : index
    %get3A_113 = arith.constant 2 : index
    %get3A_114 = vector.load %arg3[%get3A_112, %get3A_113] : memref<1024x3xf32, #tpu.memory_space<vmem>>, vector<1024x1xf32>
    %mul3A_115 = vector.broadcast %sqrt3A_111 : vector<1024x1xf32> to vector<1024x256xf32>
    %mul3A_116 = vector.broadcast %get3A_4 : vector<1x256xf32> to vector<1024x256xf32>
    %mul3A_117 = arith.mulf %mul3A_115, %mul3A_116 : vector<1024x256xf32>
    %add3A_118 = arith.addf %get3A_1, %mul3A_117 : vector<1024x256xf32>
    %get3A_119 = arith.constant 0 : index
    %get3A_120 = arith.constant 0 : index
    %get3A_121 = vector.load %arg6[%get3A_119, %get3A_120] : memref<256x256xf32, #tpu.memory_space<vmem>>, vector<256x256xf32>
    %get3A_122 = arith.constant 0 : index
    %get3A_123 = arith.constant 0 : index
    %get3A_124 = vector.load %arg7[%get3A_122, %get3A_123] : memref<1x256xf32, #tpu.memory_space<vmem>>, vector<1x256xf32>
    %max3A_125 = arith.constant 0.000000e+00 : f32
    %max3A_126 = vector.broadcast %max3A_125 : f32 to vector<1024x256xf32>
    %max3A_127 = arith.maximumf %add3A_118, %max3A_126 : vector<1024x256xf32>
    %convert_element_type3A_128 = arith.truncf %max3A_127 : vector<1024x256xf32> to vector<1024x256xbf16>
    %convert_element_type3A_129 = arith.truncf %get3A_121 : vector<256x256xf32> to vector<256x256xbf16>
    %dot_general3A_130 = arith.constant dense<0.000000e+00> : vector<1024x256xf32>
    %dot_general3A_131 = tpu.matmul %convert_element_type3A_128, %convert_element_type3A_129, %dot_general3A_130 {dimension_numbers = #tpu.dot_dimension_numbers<[1], [0], [0], [1], [0, 0, 1, 1], [], []>, transpose_lhs_hint = false} : vector<1024x256xbf16>, vector<256x256xbf16>, vector<1024x256xf32> -> vector<1024x256xf32>
    %add3A_132 = vector.broadcast %get3A_124 : vector<1x256xf32> to vector<1024x256xf32>
    %add3A_133 = arith.addf %dot_general3A_131, %add3A_132 : vector<1024x256xf32>
    %max3A_134 = arith.constant 0.000000e+00 : f32
    %max3A_135 = vector.broadcast %max3A_134 : f32 to vector<1024x256xf32>
    %max3A_136 = arith.maximumf %add3A_133, %max3A_135 : vector<1024x256xf32>
    %mul3A_137 = vector.broadcast %get3A_114 : vector<1024x1xf32> to vector<1024x256xf32>
    %mul3A_138 = arith.mulf %max3A_136, %mul3A_137 : vector<1024x256xf32>
    %get3A_139 = arith.constant 0 : index
    %get3A_140 = arith.constant 2 : index
    %get3A_141 = vector.load %arg4[%get3A_139, %get3A_140] : memref<1024x3xi32, #tpu.memory_space<vmem>>, vector<1024x1xi32>
    %iota3A_142 = tpu.iota {dimensions = array<i32: 1>} : vector<1024x1024xi32>
    %eq3A_143 = vector.broadcast %get3A_141 : vector<1024x1xi32> to vector<1024x1024xi32>
    %eq3A_144 = arith.cmpi eq, %eq3A_143, %iota3A_142 : vector<1024x1024xi32>
    %convert_element_type3A_145 = arith.extui %eq3A_144 : vector<1024x1024xi1> to vector<1024x1024xi32>
    %convert_element_type3A_146 = arith.sitofp %convert_element_type3A_145 : vector<1024x1024xi32> to vector<1024x1024xf32>
    %convert_element_type3A_147 = arith.truncf %convert_element_type3A_146 : vector<1024x1024xf32> to vector<1024x1024xbf16>
    %convert_element_type3A_148 = arith.truncf %mul3A_138 : vector<1024x256xf32> to vector<1024x256xbf16>
    %dot_general3A_149 = arith.constant dense<0.000000e+00> : vector<1024x256xf32>
    %dot_general3A_150 = tpu.matmul %convert_element_type3A_147, %convert_element_type3A_148, %dot_general3A_149 {dimension_numbers = #tpu.dot_dimension_numbers<[0], [0], [1], [1], [0, 1, 1, 1], [], []>, transpose_lhs_hint = false} : vector<1024x1024xbf16>, vector<1024x256xbf16>, vector<1024x256xf32> -> vector<1024x256xf32>
    %add3A_151 = arith.addf %add3A_97, %dot_general3A_150 : vector<1024x256xf32>
    %iota3A_152 = tpu.iota {dimensions = array<i32: 1>} : vector<1024x1024xi32>
    %eq3A_153 = vector.broadcast %get3A_141 : vector<1024x1xi32> to vector<1024x1024xi32>
    %eq3A_154 = arith.cmpi eq, %eq3A_153, %iota3A_152 : vector<1024x1024xi32>
    %convert_element_type3A_155 = arith.extui %eq3A_154 : vector<1024x1024xi1> to vector<1024x1024xi32>
    %convert_element_type3A_156 = arith.sitofp %convert_element_type3A_155 : vector<1024x1024xi32> to vector<1024x1024xf32>
    %convert_element_type3A_157 = arith.truncf %convert_element_type3A_156 : vector<1024x1024xf32> to vector<1024x1024xbf16>
    %convert_element_type3A_158 = arith.truncf %get3A_114 : vector<1024x1xf32> to vector<1024x1xbf16>
    %dot_general3A_159 = arith.constant dense<0.000000e+00> : vector<1024x1xf32>
    %dot_general3A_160 = tpu.matmul %convert_element_type3A_157, %convert_element_type3A_158, %dot_general3A_159 {dimension_numbers = #tpu.dot_dimension_numbers<[0], [0], [1], [1], [0, 1, 1, 1], [], []>, transpose_lhs_hint = false} : vector<1024x1024xbf16>, vector<1024x1xbf16>, vector<1024x1xf32> -> vector<1024x1xf32>
    %add3A_161 = arith.addf %add3A_107, %dot_general3A_160 : vector<1024x1xf32>
    %swap3A = arith.constant 0 : index
    %swap3A_162 = arith.constant 0 : index
    %swap3A_163 = vector.load %arg8[%swap3A, %swap3A_162] : memref<1024x256xf32, #tpu.memory_space<vmem>>, vector<1024x256xf32>
    tpu.vector_store %arg8[%swap3A, %swap3A_162], %add3A_151 {strides = array<i32>} : memref<1024x256xf32, #tpu.memory_space<vmem>>, vector<1024x256xf32>,
    %swap3A_164 = arith.constant 0 : index
    %swap3A_165 = arith.constant 0 : index
    %swap3A_166 = vector.load %arg9[%swap3A_164, %swap3A_165] : memref<1024x1xf32, #tpu.memory_space<vmem>>, vector<1024x1xf32>
    tpu.vector_store %arg9[%swap3A_164, %swap3A_165], %add3A_161 {strides = array<i32>} : memref<1024x1xf32, #tpu.memory_space<vmem>>, vector<1024x1xf32>,
    return
  }
  func.func @transform_0(%arg0: i32) -> (i32, i32) {
    %c0_i32 = arith.constant 0 : i32
    %c0_i32_0 = arith.constant 0 : i32
    return %arg0, %c0_i32 : i32, i32
  }
  func.func @transform_1(%arg0: i32) -> (i32, i32) {
    %c0_i32 = arith.constant 0 : i32
    %c0_i32_0 = arith.constant 0 : i32
    return %arg0, %c0_i32 : i32, i32
  }
  func.func @transform_2(%arg0: i32) -> (i32, i32) {
    %c0_i32 = arith.constant 0 : i32
    %c0_i32_0 = arith.constant 0 : i32
    return %arg0, %c0_i32 : i32, i32
  }
  func.func @transform_3(%arg0: i32) -> (i32, i32) {
    %c0_i32 = arith.constant 0 : i32
    %c0_i32_0 = arith.constant 0 : i32
    return %arg0, %c0_i32 : i32, i32
  }
  func.func @transform_4(%arg0: i32) -> (i32, i32) {
    %c0_i32 = arith.constant 0 : i32
    %c0_i32_0 = arith.constant 0 : i32
    %c0_i32_1 = arith.constant 0 : i32
    return %c0_i32, %c0_i32_0 : i32, i32
  }
  func.func @transform_5(%arg0: i32) -> (i32, i32) {
    %c0_i32 = arith.constant 0 : i32
    %c0_i32_0 = arith.constant 0 : i32
    %c0_i32_1 = arith.constant 0 : i32
    return %c0_i32, %c0_i32_0 : i32, i32
  }
  func.func @transform_6(%arg0: i32) -> (i32, i32) {
    %c0_i32 = arith.constant 0 : i32
    %c0_i32_0 = arith.constant 0 : i32
    %c0_i32_1 = arith.constant 0 : i32
    return %c0_i32, %c0_i32_0 : i32, i32
  }
  func.func @transform_7(%arg0: i32) -> (i32, i32) {
    %c0_i32 = arith.constant 0 : i32
    %c0_i32_0 = arith.constant 0 : i32
    return %arg0, %c0_i32 : i32, i32
  }
  func.func @transform_8(%arg0: i32) -> (i32, i32) {
    %c0_i32 = arith.constant 0 : i32
    %c0_i32_0 = arith.constant 0 : i32
    return %arg0, %c0_i32 : i32, i32
  }
}

module attributes {stable_mosaic.version = 14 : i64} {
  func.func @_s2_kernel(%arg0: i32, %arg1: memref<1024x256xf32, #tpu.memory_space<vmem>>, %arg2: memref<1024x3xi32, #tpu.memory_space<vmem>>, %arg3: memref<1024x3xf32, #tpu.memory_space<vmem>>, %arg4: memref<1024x3xf32, #tpu.memory_space<vmem>>, %arg5: memref<1x256xf32, #tpu.memory_space<vmem>>, %arg6: memref<256x256xf32, #tpu.memory_space<vmem>>, %arg7: memref<1x256xf32, #tpu.memory_space<vmem>>, %arg8: memref<1024x256xf32, #tpu.memory_space<vmem>>, %arg9: memref<1024x1xf32, #tpu.memory_space<vmem>>) attributes {dimension_semantics = [#tpu.dimension_semantics<arbitrary>], iteration_bounds = array<i64: 8>, scalar_prefetch = 0 : i64, scratch_operands = 0 : i64, tpu.core_type = #tpu.core_type<tc>, window_params = [{transform_indices = @transform_0, window_bounds = array<i64: 1024, 256>}, {transform_indices = @transform_1, window_bounds = array<i64: 1024, 3>}, {transform_indices = @transform_2, window_bounds = array<i64: 1024, 3>}, {transform_indices = @transform_3, window_bounds = array<i64: 1024, 3>}, {pipeline_mode = #tpu.pipeline_mode<synchronous>, transform_indices = @transform_4, window_bounds = array<i64: 1, 256>}, {pipeline_mode = #tpu.pipeline_mode<synchronous>, transform_indices = @transform_5, window_bounds = array<i64: 256, 256>}, {pipeline_mode = #tpu.pipeline_mode<synchronous>, transform_indices = @transform_6, window_bounds = array<i64: 1, 256>}, {transform_indices = @transform_7, window_bounds = array<i64: 1024, 256>}, {transform_indices = @transform_8, window_bounds = array<i64: 1024, 1>}]} {
    %get3A = arith.constant 0 : index
    %get3A_0 = arith.constant 0 : index
    %get3A_1 = vector.load %arg5[%get3A, %get3A_0] : memref<1x256xf32, #tpu.memory_space<vmem>>, vector<1x256xf32>
    %get3A_2 = arith.constant 0 : index
    %get3A_3 = arith.constant 0 : index
    %get3A_4 = vector.load %arg1[%get3A_2, %get3A_3] : memref<1024x256xf32, #tpu.memory_space<vmem>>, vector<1024x256xf32>
    %broadcast_in_dim3A = arith.constant 0.000000e+00 : f32
    %broadcast_in_dim3A_5 = vector.broadcast %broadcast_in_dim3A : f32 to vector<1024x256xf32>
    %get3A_6 = arith.constant 0 : index
    %get3A_7 = arith.constant 0 : index
    %get3A_8 = vector.load %arg2[%get3A_6, %get3A_7] : memref<1024x3xi32, #tpu.memory_space<vmem>>, vector<1024x1xi32>
    %iota3A = tpu.iota {dimensions = array<i32: 1>} : vector<1024x1024xi32>
    %eq3A = vector.broadcast %get3A_8 : vector<1024x1xi32> to vector<1024x1024xi32>
    %eq3A_9 = arith.cmpi eq, %eq3A, %iota3A : vector<1024x1024xi32>
    %convert_element_type3A = arith.extui %eq3A_9 : vector<1024x1024xi1> to vector<1024x1024xi32>
    %convert_element_type3A_10 = arith.sitofp %convert_element_type3A : vector<1024x1024xi32> to vector<1024x1024xf32>
    %convert_element_type3A_11 = arith.truncf %convert_element_type3A_10 : vector<1024x1024xf32> to vector<1024x1024xbf16>
    %convert_element_type3A_12 = arith.truncf %get3A_4 : vector<1024x256xf32> to vector<1024x256xbf16>
    %dot_general3A = arith.constant dense<0.000000e+00> : vector<1024x256xf32>
    %dot_general3A_13 = tpu.matmul %convert_element_type3A_11, %convert_element_type3A_12, %dot_general3A {dimension_numbers = #tpu.dot_dimension_numbers<[1], [0], [0], [1], [0, 0, 1, 1], [], []>, transpose_lhs_hint = false} : vector<1024x1024xbf16>, vector<1024x256xbf16>, vector<1024x256xf32> -> vector<1024x256xf32>
    %get3A_14 = arith.constant 0 : index
    %get3A_15 = arith.constant 0 : index
    %get3A_16 = vector.load %arg3[%get3A_14, %get3A_15] : memref<1024x3xf32, #tpu.memory_space<vmem>>, vector<1024x1xf32>
    %sqrt3A = math.sqrt %get3A_16 : vector<1024x1xf32>
    %mul3A = vector.broadcast %sqrt3A : vector<1024x1xf32> to vector<1024x256xf32>
    %mul3A_17 = vector.broadcast %get3A_1 : vector<1x256xf32> to vector<1024x256xf32>
    %mul3A_18 = arith.mulf %mul3A, %mul3A_17 : vector<1024x256xf32>
    %add3A = arith.addf %dot_general3A_13, %mul3A_18 : vector<1024x256xf32>
    %get3A_19 = arith.constant 0 : index
    %get3A_20 = arith.constant 0 : index
    %get3A_21 = vector.load %arg6[%get3A_19, %get3A_20] : memref<256x256xf32, #tpu.memory_space<vmem>>, vector<256x256xf32>
    %get3A_22 = arith.constant 0 : index
    %get3A_23 = arith.constant 0 : index
    %get3A_24 = vector.load %arg7[%get3A_22, %get3A_23] : memref<1x256xf32, #tpu.memory_space<vmem>>, vector<1x256xf32>
    %max3A = arith.constant 0.000000e+00 : f32
    %max3A_25 = vector.broadcast %max3A : f32 to vector<1024x256xf32>
    %max3A_26 = arith.maximumf %add3A, %max3A_25 : vector<1024x256xf32>
    %convert_element_type3A_27 = arith.truncf %max3A_26 : vector<1024x256xf32> to vector<1024x256xbf16>
    %convert_element_type3A_28 = arith.truncf %get3A_21 : vector<256x256xf32> to vector<256x256xbf16>
    %dot_general3A_29 = arith.constant dense<0.000000e+00> : vector<1024x256xf32>
    %dot_general3A_30 = tpu.matmul %convert_element_type3A_27, %convert_element_type3A_28, %dot_general3A_29 {dimension_numbers = #tpu.dot_dimension_numbers<[1], [0], [0], [1], [0, 0, 1, 1], [], []>, transpose_lhs_hint = false} : vector<1024x256xbf16>, vector<256x256xbf16>, vector<1024x256xf32> -> vector<1024x256xf32>
    %add3A_31 = vector.broadcast %get3A_24 : vector<1x256xf32> to vector<1024x256xf32>
    %add3A_32 = arith.addf %dot_general3A_30, %add3A_31 : vector<1024x256xf32>
    %max3A_33 = arith.constant 0.000000e+00 : f32
    %max3A_34 = vector.broadcast %max3A_33 : f32 to vector<1024x256xf32>
    %max3A_35 = arith.maximumf %add3A_32, %max3A_34 : vector<1024x256xf32>
    %get3A_36 = arith.constant 0 : index
    %get3A_37 = arith.constant 0 : index
    %get3A_38 = vector.load %arg4[%get3A_36, %get3A_37] : memref<1024x3xf32, #tpu.memory_space<vmem>>, vector<1024x1xf32>
    %mul3A_39 = vector.broadcast %get3A_38 : vector<1024x1xf32> to vector<1024x256xf32>
    %mul3A_40 = arith.mulf %max3A_35, %mul3A_39 : vector<1024x256xf32>
    %add3A_41 = arith.addf %broadcast_in_dim3A_5, %mul3A_40 : vector<1024x256xf32>
    %get3A_42 = arith.constant 0 : index
    %get3A_43 = arith.constant 1 : index
    %get3A_44 = vector.load %arg2[%get3A_42, %get3A_43] : memref<1024x3xi32, #tpu.memory_space<vmem>>, vector<1024x1xi32>
    %iota3A_45 = tpu.iota {dimensions = array<i32: 1>} : vector<1024x1024xi32>
    %eq3A_46 = vector.broadcast %get3A_44 : vector<1024x1xi32> to vector<1024x1024xi32>
    %eq3A_47 = arith.cmpi eq, %eq3A_46, %iota3A_45 : vector<1024x1024xi32>
    %convert_element_type3A_48 = arith.extui %eq3A_47 : vector<1024x1024xi1> to vector<1024x1024xi32>
    %convert_element_type3A_49 = arith.sitofp %convert_element_type3A_48 : vector<1024x1024xi32> to vector<1024x1024xf32>
    %convert_element_type3A_50 = arith.truncf %convert_element_type3A_49 : vector<1024x1024xf32> to vector<1024x1024xbf16>
    %convert_element_type3A_51 = arith.truncf %get3A_4 : vector<1024x256xf32> to vector<1024x256xbf16>
    %dot_general3A_52 = arith.constant dense<0.000000e+00> : vector<1024x256xf32>
    %dot_general3A_53 = tpu.matmul %convert_element_type3A_50, %convert_element_type3A_51, %dot_general3A_52 {dimension_numbers = #tpu.dot_dimension_numbers<[1], [0], [0], [1], [0, 0, 1, 1], [], []>, transpose_lhs_hint = false} : vector<1024x1024xbf16>, vector<1024x256xbf16>, vector<1024x256xf32> -> vector<1024x256xf32>
    %get3A_54 = arith.constant 0 : index
    %get3A_55 = arith.constant 1 : index
    %get3A_56 = vector.load %arg3[%get3A_54, %get3A_55] : memref<1024x3xf32, #tpu.memory_space<vmem>>, vector<1024x1xf32>
    %sqrt3A_57 = math.sqrt %get3A_56 : vector<1024x1xf32>
    %mul3A_58 = vector.broadcast %sqrt3A_57 : vector<1024x1xf32> to vector<1024x256xf32>
    %mul3A_59 = vector.broadcast %get3A_1 : vector<1x256xf32> to vector<1024x256xf32>
    %mul3A_60 = arith.mulf %mul3A_58, %mul3A_59 : vector<1024x256xf32>
    %add3A_61 = arith.addf %dot_general3A_53, %mul3A_60 : vector<1024x256xf32>
    %get3A_62 = arith.constant 0 : index
    %get3A_63 = arith.constant 0 : index
    %get3A_64 = vector.load %arg6[%get3A_62, %get3A_63] : memref<256x256xf32, #tpu.memory_space<vmem>>, vector<256x256xf32>
    %get3A_65 = arith.constant 0 : index
    %get3A_66 = arith.constant 0 : index
    %get3A_67 = vector.load %arg7[%get3A_65, %get3A_66] : memref<1x256xf32, #tpu.memory_space<vmem>>, vector<1x256xf32>
    %max3A_68 = arith.constant 0.000000e+00 : f32
    %max3A_69 = vector.broadcast %max3A_68 : f32 to vector<1024x256xf32>
    %max3A_70 = arith.maximumf %add3A_61, %max3A_69 : vector<1024x256xf32>
    %convert_element_type3A_71 = arith.truncf %max3A_70 : vector<1024x256xf32> to vector<1024x256xbf16>
    %convert_element_type3A_72 = arith.truncf %get3A_64 : vector<256x256xf32> to vector<256x256xbf16>
    %dot_general3A_73 = arith.constant dense<0.000000e+00> : vector<1024x256xf32>
    %dot_general3A_74 = tpu.matmul %convert_element_type3A_71, %convert_element_type3A_72, %dot_general3A_73 {dimension_numbers = #tpu.dot_dimension_numbers<[1], [0], [0], [1], [0, 0, 1, 1], [], []>, transpose_lhs_hint = false} : vector<1024x256xbf16>, vector<256x256xbf16>, vector<1024x256xf32> -> vector<1024x256xf32>
    %add3A_75 = vector.broadcast %get3A_67 : vector<1x256xf32> to vector<1024x256xf32>
    %add3A_76 = arith.addf %dot_general3A_74, %add3A_75 : vector<1024x256xf32>
    %max3A_77 = arith.constant 0.000000e+00 : f32
    %max3A_78 = vector.broadcast %max3A_77 : f32 to vector<1024x256xf32>
    %max3A_79 = arith.maximumf %add3A_76, %max3A_78 : vector<1024x256xf32>
    %get3A_80 = arith.constant 0 : index
    %get3A_81 = arith.constant 1 : index
    %get3A_82 = vector.load %arg4[%get3A_80, %get3A_81] : memref<1024x3xf32, #tpu.memory_space<vmem>>, vector<1024x1xf32>
    %mul3A_83 = vector.broadcast %get3A_82 : vector<1024x1xf32> to vector<1024x256xf32>
    %mul3A_84 = arith.mulf %max3A_79, %mul3A_83 : vector<1024x256xf32>
    %add3A_85 = arith.addf %add3A_41, %mul3A_84 : vector<1024x256xf32>
    %get3A_86 = arith.constant 0 : index
    %get3A_87 = arith.constant 2 : index
    %get3A_88 = vector.load %arg2[%get3A_86, %get3A_87] : memref<1024x3xi32, #tpu.memory_space<vmem>>, vector<1024x1xi32>
    %iota3A_89 = tpu.iota {dimensions = array<i32: 1>} : vector<1024x1024xi32>
    %eq3A_90 = vector.broadcast %get3A_88 : vector<1024x1xi32> to vector<1024x1024xi32>
    %eq3A_91 = arith.cmpi eq, %eq3A_90, %iota3A_89 : vector<1024x1024xi32>
    %convert_element_type3A_92 = arith.extui %eq3A_91 : vector<1024x1024xi1> to vector<1024x1024xi32>
    %convert_element_type3A_93 = arith.sitofp %convert_element_type3A_92 : vector<1024x1024xi32> to vector<1024x1024xf32>
    %convert_element_type3A_94 = arith.truncf %convert_element_type3A_93 : vector<1024x1024xf32> to vector<1024x1024xbf16>
    %convert_element_type3A_95 = arith.truncf %get3A_4 : vector<1024x256xf32> to vector<1024x256xbf16>
    %dot_general3A_96 = arith.constant dense<0.000000e+00> : vector<1024x256xf32>
    %dot_general3A_97 = tpu.matmul %convert_element_type3A_94, %convert_element_type3A_95, %dot_general3A_96 {dimension_numbers = #tpu.dot_dimension_numbers<[1], [0], [0], [1], [0, 0, 1, 1], [], []>, transpose_lhs_hint = false} : vector<1024x1024xbf16>, vector<1024x256xbf16>, vector<1024x256xf32> -> vector<1024x256xf32>
    %get3A_98 = arith.constant 0 : index
    %get3A_99 = arith.constant 2 : index
    %get3A_100 = vector.load %arg3[%get3A_98, %get3A_99] : memref<1024x3xf32, #tpu.memory_space<vmem>>, vector<1024x1xf32>
    %sqrt3A_101 = math.sqrt %get3A_100 : vector<1024x1xf32>
    %mul3A_102 = vector.broadcast %sqrt3A_101 : vector<1024x1xf32> to vector<1024x256xf32>
    %mul3A_103 = vector.broadcast %get3A_1 : vector<1x256xf32> to vector<1024x256xf32>
    %mul3A_104 = arith.mulf %mul3A_102, %mul3A_103 : vector<1024x256xf32>
    %add3A_105 = arith.addf %dot_general3A_97, %mul3A_104 : vector<1024x256xf32>
    %get3A_106 = arith.constant 0 : index
    %get3A_107 = arith.constant 0 : index
    %get3A_108 = vector.load %arg6[%get3A_106, %get3A_107] : memref<256x256xf32, #tpu.memory_space<vmem>>, vector<256x256xf32>
    %get3A_109 = arith.constant 0 : index
    %get3A_110 = arith.constant 0 : index
    %get3A_111 = vector.load %arg7[%get3A_109, %get3A_110] : memref<1x256xf32, #tpu.memory_space<vmem>>, vector<1x256xf32>
    %max3A_112 = arith.constant 0.000000e+00 : f32
    %max3A_113 = vector.broadcast %max3A_112 : f32 to vector<1024x256xf32>
    %max3A_114 = arith.maximumf %add3A_105, %max3A_113 : vector<1024x256xf32>
    %convert_element_type3A_115 = arith.truncf %max3A_114 : vector<1024x256xf32> to vector<1024x256xbf16>
    %convert_element_type3A_116 = arith.truncf %get3A_108 : vector<256x256xf32> to vector<256x256xbf16>
    %dot_general3A_117 = arith.constant dense<0.000000e+00> : vector<1024x256xf32>
    %dot_general3A_118 = tpu.matmul %convert_element_type3A_115, %convert_element_type3A_116, %dot_general3A_117 {dimension_numbers = #tpu.dot_dimension_numbers<[1], [0], [0], [1], [0, 0, 1, 1], [], []>, transpose_lhs_hint = false} : vector<1024x256xbf16>, vector<256x256xbf16>, vector<1024x256xf32> -> vector<1024x256xf32>
    %add3A_119 = vector.broadcast %get3A_111 : vector<1x256xf32> to vector<1024x256xf32>
    %add3A_120 = arith.addf %dot_general3A_118, %add3A_119 : vector<1024x256xf32>
    %max3A_121 = arith.constant 0.000000e+00 : f32
    %max3A_122 = vector.broadcast %max3A_121 : f32 to vector<1024x256xf32>
    %max3A_123 = arith.maximumf %add3A_120, %max3A_122 : vector<1024x256xf32>
    %get3A_124 = arith.constant 0 : index
    %get3A_125 = arith.constant 2 : index
    %get3A_126 = vector.load %arg4[%get3A_124, %get3A_125] : memref<1024x3xf32, #tpu.memory_space<vmem>>, vector<1024x1xf32>
    %mul3A_127 = vector.broadcast %get3A_126 : vector<1024x1xf32> to vector<1024x256xf32>
    %mul3A_128 = arith.mulf %max3A_123, %mul3A_127 : vector<1024x256xf32>
    %add3A_129 = arith.addf %add3A_85, %mul3A_128 : vector<1024x256xf32>
    %swap3A = arith.constant 0 : index
    %swap3A_130 = arith.constant 0 : index
    %swap3A_131 = vector.load %arg8[%swap3A, %swap3A_130] : memref<1024x256xf32, #tpu.memory_space<vmem>>, vector<1024x256xf32>
    tpu.vector_store %arg8[%swap3A, %swap3A_130], %add3A_129 {strides = array<i32>} : memref<1024x256xf32, #tpu.memory_space<vmem>>, vector<1024x256xf32>,
    %get3A_132 = arith.constant 0 : index
    %get3A_133 = arith.constant 0 : index
    %get3A_134 = vector.load %arg4[%get3A_132, %get3A_133] : memref<1024x3xf32, #tpu.memory_space<vmem>>, vector<1024x3xf32>
    %reduce_sum3A = arith.constant dense<0.000000e+00> : vector<1024xf32>
    %reduce_sum3A_135 = vector.multi_reduction <add>, %get3A_134, %reduce_sum3A [1] : vector<1024x3xf32> to vector<1024xf32>
    %broadcast_in_dim3A_136 = vector.shape_cast %reduce_sum3A_135 : vector<1024xf32> to vector<1024x1xf32>
    %swap3A_137 = arith.constant 0 : index
    %swap3A_138 = arith.constant 0 : index
    %swap3A_139 = vector.load %arg9[%swap3A_137, %swap3A_138] : memref<1024x1xf32, #tpu.memory_space<vmem>>, vector<1024x1xf32>
    tpu.vector_store %arg9[%swap3A_137, %swap3A_138], %broadcast_in_dim3A_136 {strides = array<i32>} : memref<1024x1xf32, #tpu.memory_space<vmem>>, vector<1024x1xf32>,
    return
  }
  func.func @transform_0(%arg0: i32) -> (i32, i32) {
    %c0_i32 = arith.constant 0 : i32
    %c0_i32_0 = arith.constant 0 : i32
    return %arg0, %c0_i32 : i32, i32
  }
  func.func @transform_1(%arg0: i32) -> (i32, i32) {
    %c0_i32 = arith.constant 0 : i32
    %c0_i32_0 = arith.constant 0 : i32
    return %arg0, %c0_i32 : i32, i32
  }
  func.func @transform_2(%arg0: i32) -> (i32, i32) {
    %c0_i32 = arith.constant 0 : i32
    %c0_i32_0 = arith.constant 0 : i32
    return %arg0, %c0_i32 : i32, i32
  }
  func.func @transform_3(%arg0: i32) -> (i32, i32) {
    %c0_i32 = arith.constant 0 : i32
    %c0_i32_0 = arith.constant 0 : i32
    return %arg0, %c0_i32 : i32, i32
  }
  func.func @transform_4(%arg0: i32) -> (i32, i32) {
    %c0_i32 = arith.constant 0 : i32
    %c0_i32_0 = arith.constant 0 : i32
    %c0_i32_1 = arith.constant 0 : i32
    return %c0_i32, %c0_i32_0 : i32, i32
  }
  func.func @transform_5(%arg0: i32) -> (i32, i32) {
    %c0_i32 = arith.constant 0 : i32
    %c0_i32_0 = arith.constant 0 : i32
    %c0_i32_1 = arith.constant 0 : i32
    return %c0_i32, %c0_i32_0 : i32, i32
  }
  func.func @transform_6(%arg0: i32) -> (i32, i32) {
    %c0_i32 = arith.constant 0 : i32
    %c0_i32_0 = arith.constant 0 : i32
    %c0_i32_1 = arith.constant 0 : i32
    return %c0_i32, %c0_i32_0 : i32, i32
  }
  func.func @transform_7(%arg0: i32) -> (i32, i32) {
    %c0_i32 = arith.constant 0 : i32
    %c0_i32_0 = arith.constant 0 : i32
    return %arg0, %c0_i32 : i32, i32
  }
  func.func @transform_8(%arg0: i32) -> (i32, i32) {
    %c0_i32 = arith.constant 0 : i32
    %c0_i32_0 = arith.constant 0 : i32
    return %arg0, %c0_i32 : i32, i32
  }
}

module attributes {stable_mosaic.version = 14 : i64} {
  func.func @_s3_kernel(%arg0: i32, %arg1: i32, %arg2: memref<1024x256xf32, #tpu.memory_space<vmem>>, %arg3: memref<1024x1xi32, #tpu.memory_space<vmem>>, %arg4: memref<1024x1xf32, #tpu.memory_space<vmem>>, %arg5: memref<1024x1xf32, #tpu.memory_space<vmem>>, %arg6: memref<1024x1xi32, #tpu.memory_space<vmem>>, %arg7: memref<1x256xf32, #tpu.memory_space<vmem>>, %arg8: memref<256x256xf32, #tpu.memory_space<vmem>>, %arg9: memref<1x256xf32, #tpu.memory_space<vmem>>, %arg10: memref<1024x256xf32, #tpu.memory_space<vmem>>, %arg11: memref<1024x1xf32, #tpu.memory_space<vmem>>) attributes {dimension_semantics = [#tpu.dimension_semantics<arbitrary>, #tpu.dimension_semantics<arbitrary>], iteration_bounds = array<i64: 8, 4>, scalar_prefetch = 0 : i64, scratch_operands = 0 : i64, tpu.core_type = #tpu.core_type<tc>, window_params = [{transform_indices = @transform_0, window_bounds = array<i64: 1024, 256>}, {transform_indices = @transform_1, window_bounds = array<i64: 1024, 1>}, {transform_indices = @transform_2, window_bounds = array<i64: 1024, 1>}, {transform_indices = @transform_3, window_bounds = array<i64: 1024, 1>}, {transform_indices = @transform_4, window_bounds = array<i64: 1024, 1>}, {pipeline_mode = #tpu.pipeline_mode<synchronous>, transform_indices = @transform_5, window_bounds = array<i64: 1, 256>}, {pipeline_mode = #tpu.pipeline_mode<synchronous>, transform_indices = @transform_6, window_bounds = array<i64: 256, 256>}, {pipeline_mode = #tpu.pipeline_mode<synchronous>, transform_indices = @transform_7, window_bounds = array<i64: 1, 256>}, {transform_indices = @transform_8, window_bounds = array<i64: 1024, 256>}, {transform_indices = @transform_9, window_bounds = array<i64: 1024, 1>}]} {
    %get3A = arith.constant 0 : index
    %get3A_0 = arith.constant 0 : index
    %get3A_1 = vector.load %arg3[%get3A, %get3A_0] : memref<1024x1xi32, #tpu.memory_space<vmem>>, vector<1024x1xi32>
    %get3A_2 = arith.constant 0 : index
    %get3A_3 = arith.constant 0 : index
    %get3A_4 = vector.load %arg2[%get3A_2, %get3A_3] : memref<1024x256xf32, #tpu.memory_space<vmem>>, vector<1024x256xf32>
    %iota3A = tpu.iota {dimensions = array<i32: 1>} : vector<1024x1024xi32>
    %eq3A = vector.broadcast %get3A_1 : vector<1024x1xi32> to vector<1024x1024xi32>
    %eq3A_5 = arith.cmpi eq, %eq3A, %iota3A : vector<1024x1024xi32>
    %convert_element_type3A = arith.extui %eq3A_5 : vector<1024x1024xi1> to vector<1024x1024xi32>
    %convert_element_type3A_6 = arith.sitofp %convert_element_type3A : vector<1024x1024xi32> to vector<1024x1024xf32>
    %convert_element_type3A_7 = arith.truncf %convert_element_type3A_6 : vector<1024x1024xf32> to vector<1024x1024xbf16>
    %convert_element_type3A_8 = arith.truncf %get3A_4 : vector<1024x256xf32> to vector<1024x256xbf16>
    %dot_general3A = arith.constant dense<0.000000e+00> : vector<1024x256xf32>
    %dot_general3A_9 = tpu.matmul %convert_element_type3A_7, %convert_element_type3A_8, %dot_general3A {dimension_numbers = #tpu.dot_dimension_numbers<[1], [0], [0], [1], [0, 0, 1, 1], [], []>, transpose_lhs_hint = false} : vector<1024x1024xbf16>, vector<1024x256xbf16>, vector<1024x256xf32> -> vector<1024x256xf32>
    %get3A_10 = arith.constant 0 : index
    %get3A_11 = arith.constant 0 : index
    %get3A_12 = vector.load %arg4[%get3A_10, %get3A_11] : memref<1024x1xf32, #tpu.memory_space<vmem>>, vector<1024x1xf32>
    %sqrt3A = math.sqrt %get3A_12 : vector<1024x1xf32>
    %get3A_13 = arith.constant 0 : index
    %get3A_14 = arith.constant 0 : index
    %get3A_15 = vector.load %arg5[%get3A_13, %get3A_14] : memref<1024x1xf32, #tpu.memory_space<vmem>>, vector<1024x1xf32>
    %get3A_16 = arith.constant 0 : index
    %get3A_17 = arith.constant 0 : index
    %get3A_18 = vector.load %arg7[%get3A_16, %get3A_17] : memref<1x256xf32, #tpu.memory_space<vmem>>, vector<1x256xf32>
    %mul3A = vector.broadcast %sqrt3A : vector<1024x1xf32> to vector<1024x256xf32>
    %mul3A_19 = vector.broadcast %get3A_18 : vector<1x256xf32> to vector<1024x256xf32>
    %mul3A_20 = arith.mulf %mul3A, %mul3A_19 : vector<1024x256xf32>
    %add3A = arith.addf %dot_general3A_9, %mul3A_20 : vector<1024x256xf32>
    %get3A_21 = arith.constant 0 : index
    %get3A_22 = arith.constant 0 : index
    %get3A_23 = vector.load %arg8[%get3A_21, %get3A_22] : memref<256x256xf32, #tpu.memory_space<vmem>>, vector<256x256xf32>
    %get3A_24 = arith.constant 0 : index
    %get3A_25 = arith.constant 0 : index
    %get3A_26 = vector.load %arg9[%get3A_24, %get3A_25] : memref<1x256xf32, #tpu.memory_space<vmem>>, vector<1x256xf32>
    %max3A = arith.constant 0.000000e+00 : f32
    %max3A_27 = vector.broadcast %max3A : f32 to vector<1024x256xf32>
    %max3A_28 = arith.maximumf %add3A, %max3A_27 : vector<1024x256xf32>
    %convert_element_type3A_29 = arith.truncf %max3A_28 : vector<1024x256xf32> to vector<1024x256xbf16>
    %convert_element_type3A_30 = arith.truncf %get3A_23 : vector<256x256xf32> to vector<256x256xbf16>
    %dot_general3A_31 = arith.constant dense<0.000000e+00> : vector<1024x256xf32>
    %dot_general3A_32 = tpu.matmul %convert_element_type3A_29, %convert_element_type3A_30, %dot_general3A_31 {dimension_numbers = #tpu.dot_dimension_numbers<[1], [0], [0], [1], [0, 0, 1, 1], [], []>, transpose_lhs_hint = false} : vector<1024x256xbf16>, vector<256x256xbf16>, vector<1024x256xf32> -> vector<1024x256xf32>
    %add3A_33 = vector.broadcast %get3A_26 : vector<1x256xf32> to vector<1024x256xf32>
    %add3A_34 = arith.addf %dot_general3A_32, %add3A_33 : vector<1024x256xf32>
    %max3A_35 = arith.constant 0.000000e+00 : f32
    %max3A_36 = vector.broadcast %max3A_35 : f32 to vector<1024x256xf32>
    %max3A_37 = arith.maximumf %add3A_34, %max3A_36 : vector<1024x256xf32>
    %mul3A_38 = vector.broadcast %get3A_15 : vector<1024x1xf32> to vector<1024x256xf32>
    %mul3A_39 = arith.mulf %max3A_37, %mul3A_38 : vector<1024x256xf32>
    %get3A_40 = arith.constant 0 : index
    %get3A_41 = arith.constant 0 : index
    %get3A_42 = vector.load %arg6[%get3A_40, %get3A_41] : memref<1024x1xi32, #tpu.memory_space<vmem>>, vector<1024x1xi32>
    %iota3A_43 = tpu.iota {dimensions = array<i32: 1>} : vector<1024x1024xi32>
    %eq3A_44 = vector.broadcast %get3A_42 : vector<1024x1xi32> to vector<1024x1024xi32>
    %eq3A_45 = arith.cmpi eq, %eq3A_44, %iota3A_43 : vector<1024x1024xi32>
    %convert_element_type3A_46 = arith.extui %eq3A_45 : vector<1024x1024xi1> to vector<1024x1024xi32>
    %convert_element_type3A_47 = arith.sitofp %convert_element_type3A_46 : vector<1024x1024xi32> to vector<1024x1024xf32>
    %convert_element_type3A_48 = arith.truncf %convert_element_type3A_47 : vector<1024x1024xf32> to vector<1024x1024xbf16>
    %convert_element_type3A_49 = arith.truncf %mul3A_39 : vector<1024x256xf32> to vector<1024x256xbf16>
    %dot_general3A_50 = arith.constant dense<0.000000e+00> : vector<1024x256xf32>
    %dot_general3A_51 = tpu.matmul %convert_element_type3A_48, %convert_element_type3A_49, %dot_general3A_50 {dimension_numbers = #tpu.dot_dimension_numbers<[0], [0], [1], [1], [0, 1, 1, 1], [], []>, transpose_lhs_hint = false} : vector<1024x1024xbf16>, vector<1024x256xbf16>, vector<1024x256xf32> -> vector<1024x256xf32>
    %iota3A_52 = tpu.iota {dimensions = array<i32: 1>} : vector<1024x1024xi32>
    %eq3A_53 = vector.broadcast %get3A_42 : vector<1024x1xi32> to vector<1024x1024xi32>
    %eq3A_54 = arith.cmpi eq, %eq3A_53, %iota3A_52 : vector<1024x1024xi32>
    %convert_element_type3A_55 = arith.extui %eq3A_54 : vector<1024x1024xi1> to vector<1024x1024xi32>
    %convert_element_type3A_56 = arith.sitofp %convert_element_type3A_55 : vector<1024x1024xi32> to vector<1024x1024xf32>
    %convert_element_type3A_57 = arith.truncf %convert_element_type3A_56 : vector<1024x1024xf32> to vector<1024x1024xbf16>
    %convert_element_type3A_58 = arith.truncf %get3A_15 : vector<1024x1xf32> to vector<1024x1xbf16>
    %dot_general3A_59 = arith.constant dense<0.000000e+00> : vector<1024x1xf32>
    %dot_general3A_60 = tpu.matmul %convert_element_type3A_57, %convert_element_type3A_58, %dot_general3A_59 {dimension_numbers = #tpu.dot_dimension_numbers<[0], [0], [1], [1], [0, 1, 1, 1], [], []>, transpose_lhs_hint = false} : vector<1024x1024xbf16>, vector<1024x1xbf16>, vector<1024x1xf32> -> vector<1024x1xf32>
    %eq3A_61 = arith.constant 0 : i32
    %eq3A_62 = arith.cmpi eq, %arg1, %eq3A_61 : i32
    %convert_element_type3A_63 = arith.extui %eq3A_62 : i1 to i32
    %cond3A = arith.constant 0 : i32
    %cond3A_64 = arith.cmpi ne, %convert_element_type3A_63, %cond3A : i32
    scf.if %cond3A_64 {
      %swap3A = arith.constant 0 : index
      %swap3A_69 = arith.constant 0 : index
      %swap3A_70 = vector.load %arg10[%swap3A, %swap3A_69] : memref<1024x256xf32, #tpu.memory_space<vmem>>, vector<1024x256xf32>
      tpu.vector_store %arg10[%swap3A, %swap3A_69], %dot_general3A_51 {strides = array<i32>} : memref<1024x256xf32, #tpu.memory_space<vmem>>, vector<1024x256xf32>,
      %swap3A_71 = arith.constant 0 : index
      %swap3A_72 = arith.constant 0 : index
      %swap3A_73 = vector.load %arg11[%swap3A_71, %swap3A_72] : memref<1024x1xf32, #tpu.memory_space<vmem>>, vector<1024x1xf32>
      tpu.vector_store %arg11[%swap3A_71, %swap3A_72], %dot_general3A_60 {strides = array<i32>} : memref<1024x1xf32, #tpu.memory_space<vmem>>, vector<1024x1xf32>,
    } else {
    }
    %gt3A = arith.constant 0 : i32
    %gt3A_65 = arith.cmpi sgt, %arg1, %gt3A : i32
    %convert_element_type3A_66 = arith.extui %gt3A_65 : i1 to i32
    %cond3A_67 = arith.constant 0 : i32
    %cond3A_68 = arith.cmpi ne, %convert_element_type3A_66, %cond3A_67 : i32
    scf.if %cond3A_68 {
      %get3A_69 = arith.constant 0 : index
      %get3A_70 = arith.constant 0 : index
      %get3A_71 = vector.load %arg10[%get3A_69, %get3A_70] : memref<1024x256xf32, #tpu.memory_space<vmem>>, vector<1024x256xf32>
      %add3A_72 = arith.addf %get3A_71, %dot_general3A_51 : vector<1024x256xf32>
      %swap3A = arith.constant 0 : index
      %swap3A_73 = arith.constant 0 : index
      %swap3A_74 = vector.load %arg10[%swap3A, %swap3A_73] : memref<1024x256xf32, #tpu.memory_space<vmem>>, vector<1024x256xf32>
      tpu.vector_store %arg10[%swap3A, %swap3A_73], %add3A_72 {strides = array<i32>} : memref<1024x256xf32, #tpu.memory_space<vmem>>, vector<1024x256xf32>,
      %get3A_75 = arith.constant 0 : index
      %get3A_76 = arith.constant 0 : index
      %get3A_77 = vector.load %arg11[%get3A_75, %get3A_76] : memref<1024x1xf32, #tpu.memory_space<vmem>>, vector<1024x1xf32>
      %add3A_78 = arith.addf %get3A_77, %dot_general3A_60 : vector<1024x1xf32>
      %swap3A_79 = arith.constant 0 : index
      %swap3A_80 = arith.constant 0 : index
      %swap3A_81 = vector.load %arg11[%swap3A_79, %swap3A_80] : memref<1024x1xf32, #tpu.memory_space<vmem>>, vector<1024x1xf32>
      tpu.vector_store %arg11[%swap3A_79, %swap3A_80], %add3A_78 {strides = array<i32>} : memref<1024x1xf32, #tpu.memory_space<vmem>>, vector<1024x1xf32>,
    } else {
    }
    return
  }
  func.func @transform_0(%arg0: i32, %arg1: i32) -> (i32, i32) {
    %c0_i32 = arith.constant 0 : i32
    %c0_i32_0 = arith.constant 0 : i32
    return %arg0, %c0_i32 : i32, i32
  }
  func.func @transform_1(%arg0: i32, %arg1: i32) -> (i32, i32) {
    %mul3A = arith.constant 4 : i32
    %mul3A_0 = arith.muli %arg0, %mul3A : i32
    %add3A = arith.addi %mul3A_0, %arg1 : i32
    %c0_i32 = arith.constant 0 : i32
    %c0_i32_1 = arith.constant 0 : i32
    return %add3A, %c0_i32 : i32, i32
  }
  func.func @transform_2(%arg0: i32, %arg1: i32) -> (i32, i32) {
    %mul3A = arith.constant 4 : i32
    %mul3A_0 = arith.muli %arg0, %mul3A : i32
    %add3A = arith.addi %mul3A_0, %arg1 : i32
    %c0_i32 = arith.constant 0 : i32
    %c0_i32_1 = arith.constant 0 : i32
    return %add3A, %c0_i32 : i32, i32
  }
  func.func @transform_3(%arg0: i32, %arg1: i32) -> (i32, i32) {
    %mul3A = arith.constant 4 : i32
    %mul3A_0 = arith.muli %arg0, %mul3A : i32
    %add3A = arith.addi %mul3A_0, %arg1 : i32
    %c0_i32 = arith.constant 0 : i32
    %c0_i32_1 = arith.constant 0 : i32
    return %add3A, %c0_i32 : i32, i32
  }
  func.func @transform_4(%arg0: i32, %arg1: i32) -> (i32, i32) {
    %mul3A = arith.constant 4 : i32
    %mul3A_0 = arith.muli %arg0, %mul3A : i32
    %add3A = arith.addi %mul3A_0, %arg1 : i32
    %c0_i32 = arith.constant 0 : i32
    %c0_i32_1 = arith.constant 0 : i32
    return %add3A, %c0_i32 : i32, i32
  }
  func.func @transform_5(%arg0: i32, %arg1: i32) -> (i32, i32) {
    %c0_i32 = arith.constant 0 : i32
    %c0_i32_0 = arith.constant 0 : i32
    %c0_i32_1 = arith.constant 0 : i32
    return %c0_i32, %c0_i32_0 : i32, i32
  }
  func.func @transform_6(%arg0: i32, %arg1: i32) -> (i32, i32) {
    %c0_i32 = arith.constant 0 : i32
    %c0_i32_0 = arith.constant 0 : i32
    %c0_i32_1 = arith.constant 0 : i32
    return %c0_i32, %c0_i32_0 : i32, i32
  }
  func.func @transform_7(%arg0: i32, %arg1: i32) -> (i32, i32) {
    %c0_i32 = arith.constant 0 : i32
    %c0_i32_0 = arith.constant 0 : i32
    %c0_i32_1 = arith.constant 0 : i32
    return %c0_i32, %c0_i32_0 : i32, i32
  }
  func.func @transform_8(%arg0: i32, %arg1: i32) -> (i32, i32) {
    %c0_i32 = arith.constant 0 : i32
    %c0_i32_0 = arith.constant 0 : i32
    return %arg0, %c0_i32 : i32, i32
  }
  func.func @transform_9(%arg0: i32, %arg1: i32) -> (i32, i32) {
    %c0_i32 = arith.constant 0 : i32
    %c0_i32_0 = arith.constant 0 : i32
    return %arg0, %c0_i32 : i32, i32
  }
}

module attributes {stable_mosaic.version = 14 : i64} {
  func.func @_final_mlp_kernel(%arg0: i32, %arg1: memref<1024x256xf32, #tpu.memory_space<vmem>>, %arg2: memref<1024x256xf32, #tpu.memory_space<vmem>>, %arg3: memref<1024x256xf32, #tpu.memory_space<vmem>>, %arg4: memref<1024x1xf32, #tpu.memory_space<vmem>>, %arg5: memref<1024x1xf32, #tpu.memory_space<vmem>>, %arg6: memref<1024x1xf32, #tpu.memory_space<vmem>>, %arg7: memref<256x256xf32, #tpu.memory_space<vmem>>, %arg8: memref<1x256xf32, #tpu.memory_space<vmem>>, %arg9: memref<256x256xf32, #tpu.memory_space<vmem>>, %arg10: memref<1x256xf32, #tpu.memory_space<vmem>>, %arg11: memref<256x256xf32, #tpu.memory_space<vmem>>, %arg12: memref<1x256xf32, #tpu.memory_space<vmem>>, %arg13: memref<1024x256xf32, #tpu.memory_space<vmem>>) attributes {dimension_semantics = [#tpu.dimension_semantics<arbitrary>], iteration_bounds = array<i64: 8>, scalar_prefetch = 0 : i64, scratch_operands = 0 : i64, tpu.core_type = #tpu.core_type<tc>, window_params = [{transform_indices = @transform_0, window_bounds = array<i64: 1024, 256>}, {transform_indices = @transform_1, window_bounds = array<i64: 1024, 256>}, {transform_indices = @transform_2, window_bounds = array<i64: 1024, 256>}, {transform_indices = @transform_3, window_bounds = array<i64: 1024, 1>}, {transform_indices = @transform_4, window_bounds = array<i64: 1024, 1>}, {transform_indices = @transform_5, window_bounds = array<i64: 1024, 1>}, {pipeline_mode = #tpu.pipeline_mode<synchronous>, transform_indices = @transform_6, window_bounds = array<i64: 256, 256>}, {pipeline_mode = #tpu.pipeline_mode<synchronous>, transform_indices = @transform_7, window_bounds = array<i64: 1, 256>}, {pipeline_mode = #tpu.pipeline_mode<synchronous>, transform_indices = @transform_8, window_bounds = array<i64: 256, 256>}, {pipeline_mode = #tpu.pipeline_mode<synchronous>, transform_indices = @transform_9, window_bounds = array<i64: 1, 256>}, {pipeline_mode = #tpu.pipeline_mode<synchronous>, transform_indices = @transform_10, window_bounds = array<i64: 256, 256>}, {pipeline_mode = #tpu.pipeline_mode<synchronous>, transform_indices = @transform_11, window_bounds = array<i64: 1, 256>}, {transform_indices = @transform_12, window_bounds = array<i64: 1024, 256>}]} {
    %get3A = arith.constant 0 : index
    %get3A_0 = arith.constant 0 : index
    %get3A_1 = vector.load %arg4[%get3A, %get3A_0] : memref<1024x1xf32, #tpu.memory_space<vmem>>, vector<1024x1xf32>
    %get3A_2 = arith.constant 0 : index
    %get3A_3 = arith.constant 0 : index
    %get3A_4 = vector.load %arg5[%get3A_2, %get3A_3] : memref<1024x1xf32, #tpu.memory_space<vmem>>, vector<1024x1xf32>
    %add3A = arith.addf %get3A_1, %get3A_4 : vector<1024x1xf32>
    %get3A_5 = arith.constant 0 : index
    %get3A_6 = arith.constant 0 : index
    %get3A_7 = vector.load %arg6[%get3A_5, %get3A_6] : memref<1024x1xf32, #tpu.memory_space<vmem>>, vector<1024x1xf32>
    %add3A_8 = arith.addf %add3A, %get3A_7 : vector<1024x1xf32>
    %get3A_9 = arith.constant 0 : index
    %get3A_10 = arith.constant 0 : index
    %get3A_11 = vector.load %arg1[%get3A_9, %get3A_10] : memref<1024x256xf32, #tpu.memory_space<vmem>>, vector<1024x256xf32>
    %get3A_12 = arith.constant 0 : index
    %get3A_13 = arith.constant 0 : index
    %get3A_14 = vector.load %arg2[%get3A_12, %get3A_13] : memref<1024x256xf32, #tpu.memory_space<vmem>>, vector<1024x256xf32>
    %add3A_15 = arith.addf %get3A_11, %get3A_14 : vector<1024x256xf32>
    %get3A_16 = arith.constant 0 : index
    %get3A_17 = arith.constant 0 : index
    %get3A_18 = vector.load %arg3[%get3A_16, %get3A_17] : memref<1024x256xf32, #tpu.memory_space<vmem>>, vector<1024x256xf32>
    %add3A_19 = arith.addf %add3A_15, %get3A_18 : vector<1024x256xf32>
    %get3A_20 = arith.constant 0 : index
    %get3A_21 = arith.constant 0 : index
    %get3A_22 = vector.load %arg7[%get3A_20, %get3A_21] : memref<256x256xf32, #tpu.memory_space<vmem>>, vector<256x256xf32>
    %convert_element_type3A = arith.truncf %add3A_19 : vector<1024x256xf32> to vector<1024x256xbf16>
    %convert_element_type3A_23 = arith.truncf %get3A_22 : vector<256x256xf32> to vector<256x256xbf16>
    %dot_general3A = arith.constant dense<0.000000e+00> : vector<1024x256xf32>
    %dot_general3A_24 = tpu.matmul %convert_element_type3A, %convert_element_type3A_23, %dot_general3A {dimension_numbers = #tpu.dot_dimension_numbers<[1], [0], [0], [1], [0, 0, 1, 1], [], []>, transpose_lhs_hint = false} : vector<1024x256xbf16>, vector<256x256xbf16>, vector<1024x256xf32> -> vector<1024x256xf32>
    %max3A = arith.constant 1.000000e+00 : f32
    %max3A_25 = vector.broadcast %max3A : f32 to vector<1024x1xf32>
    %max3A_26 = arith.maximumf %add3A_8, %max3A_25 : vector<1024x1xf32>
    %div3A = vector.broadcast %max3A_26 : vector<1024x1xf32> to vector<1024x256xf32>
    %div3A_27 = arith.divf %dot_general3A_24, %div3A : vector<1024x256xf32>
    %get3A_28 = arith.constant 0 : index
    %get3A_29 = arith.constant 0 : index
    %get3A_30 = vector.load %arg8[%get3A_28, %get3A_29] : memref<1x256xf32, #tpu.memory_space<vmem>>, vector<1x256xf32>
    %min3A = arith.constant 1.000000e+00 : f32
    %min3A_31 = vector.broadcast %min3A : f32 to vector<1024x1xf32>
    %min3A_32 = arith.minimumf %add3A_8, %min3A_31 : vector<1024x1xf32>
    %mul3A = vector.broadcast %get3A_30 : vector<1x256xf32> to vector<1024x256xf32>
    %mul3A_33 = vector.broadcast %min3A_32 : vector<1024x1xf32> to vector<1024x256xf32>
    %mul3A_34 = arith.mulf %mul3A, %mul3A_33 : vector<1024x256xf32>
    %add3A_35 = arith.addf %div3A_27, %mul3A_34 : vector<1024x256xf32>
    %get3A_36 = arith.constant 0 : index
    %get3A_37 = arith.constant 0 : index
    %get3A_38 = vector.load %arg9[%get3A_36, %get3A_37] : memref<256x256xf32, #tpu.memory_space<vmem>>, vector<256x256xf32>
    %convert_element_type3A_39 = arith.truncf %add3A_35 : vector<1024x256xf32> to vector<1024x256xbf16>
    %convert_element_type3A_40 = arith.truncf %get3A_38 : vector<256x256xf32> to vector<256x256xbf16>
    %dot_general3A_41 = arith.constant dense<0.000000e+00> : vector<1024x256xf32>
    %dot_general3A_42 = tpu.matmul %convert_element_type3A_39, %convert_element_type3A_40, %dot_general3A_41 {dimension_numbers = #tpu.dot_dimension_numbers<[1], [0], [0], [1], [0, 0, 1, 1], [], []>, transpose_lhs_hint = false} : vector<1024x256xbf16>, vector<256x256xbf16>, vector<1024x256xf32> -> vector<1024x256xf32>
    %get3A_43 = arith.constant 0 : index
    %get3A_44 = arith.constant 0 : index
    %get3A_45 = vector.load %arg10[%get3A_43, %get3A_44] : memref<1x256xf32, #tpu.memory_space<vmem>>, vector<1x256xf32>
    %add3A_46 = vector.broadcast %get3A_45 : vector<1x256xf32> to vector<1024x256xf32>
    %add3A_47 = arith.addf %dot_general3A_42, %add3A_46 : vector<1024x256xf32>
    %max3A_48 = arith.constant 0.000000e+00 : f32
    %max3A_49 = vector.broadcast %max3A_48 : f32 to vector<1024x256xf32>
    %max3A_50 = arith.maximumf %add3A_47, %max3A_49 : vector<1024x256xf32>
    %get3A_51 = arith.constant 0 : index
    %get3A_52 = arith.constant 0 : index
    %get3A_53 = vector.load %arg11[%get3A_51, %get3A_52] : memref<256x256xf32, #tpu.memory_space<vmem>>, vector<256x256xf32>
    %convert_element_type3A_54 = arith.truncf %max3A_50 : vector<1024x256xf32> to vector<1024x256xbf16>
    %convert_element_type3A_55 = arith.truncf %get3A_53 : vector<256x256xf32> to vector<256x256xbf16>
    %dot_general3A_56 = arith.constant dense<0.000000e+00> : vector<1024x256xf32>
    %dot_general3A_57 = tpu.matmul %convert_element_type3A_54, %convert_element_type3A_55, %dot_general3A_56 {dimension_numbers = #tpu.dot_dimension_numbers<[1], [0], [0], [1], [0, 0, 1, 1], [], []>, transpose_lhs_hint = false} : vector<1024x256xbf16>, vector<256x256xbf16>, vector<1024x256xf32> -> vector<1024x256xf32>
    %get3A_58 = arith.constant 0 : index
    %get3A_59 = arith.constant 0 : index
    %get3A_60 = vector.load %arg12[%get3A_58, %get3A_59] : memref<1x256xf32, #tpu.memory_space<vmem>>, vector<1x256xf32>
    %add3A_61 = vector.broadcast %get3A_60 : vector<1x256xf32> to vector<1024x256xf32>
    %add3A_62 = arith.addf %dot_general3A_57, %add3A_61 : vector<1024x256xf32>
    %swap3A = arith.constant 0 : index
    %swap3A_63 = arith.constant 0 : index
    %swap3A_64 = vector.load %arg13[%swap3A, %swap3A_63] : memref<1024x256xf32, #tpu.memory_space<vmem>>, vector<1024x256xf32>
    tpu.vector_store %arg13[%swap3A, %swap3A_63], %add3A_62 {strides = array<i32>} : memref<1024x256xf32, #tpu.memory_space<vmem>>, vector<1024x256xf32>,
    return
  }
  func.func @transform_0(%arg0: i32) -> (i32, i32) {
    %c0_i32 = arith.constant 0 : i32
    %c0_i32_0 = arith.constant 0 : i32
    return %arg0, %c0_i32 : i32, i32
  }
  func.func @transform_1(%arg0: i32) -> (i32, i32) {
    %c0_i32 = arith.constant 0 : i32
    %c0_i32_0 = arith.constant 0 : i32
    return %arg0, %c0_i32 : i32, i32
  }
  func.func @transform_2(%arg0: i32) -> (i32, i32) {
    %c0_i32 = arith.constant 0 : i32
    %c0_i32_0 = arith.constant 0 : i32
    return %arg0, %c0_i32 : i32, i32
  }
  func.func @transform_3(%arg0: i32) -> (i32, i32) {
    %c0_i32 = arith.constant 0 : i32
    %c0_i32_0 = arith.constant 0 : i32
    return %arg0, %c0_i32 : i32, i32
  }
  func.func @transform_4(%arg0: i32) -> (i32, i32) {
    %c0_i32 = arith.constant 0 : i32
    %c0_i32_0 = arith.constant 0 : i32
    return %arg0, %c0_i32 : i32, i32
  }
  func.func @transform_5(%arg0: i32) -> (i32, i32) {
    %c0_i32 = arith.constant 0 : i32
    %c0_i32_0 = arith.constant 0 : i32
    return %arg0, %c0_i32 : i32, i32
  }
  func.func @transform_6(%arg0: i32) -> (i32, i32) {
    %c0_i32 = arith.constant 0 : i32
    %c0_i32_0 = arith.constant 0 : i32
    %c0_i32_1 = arith.constant 0 : i32
    return %c0_i32, %c0_i32_0 : i32, i32
  }
  func.func @transform_7(%arg0: i32) -> (i32, i32) {
    %c0_i32 = arith.constant 0 : i32
    %c0_i32_0 = arith.constant 0 : i32
    %c0_i32_1 = arith.constant 0 : i32
    return %c0_i32, %c0_i32_0 : i32, i32
  }
  func.func @transform_8(%arg0: i32) -> (i32, i32) {
    %c0_i32 = arith.constant 0 : i32
    %c0_i32_0 = arith.constant 0 : i32
    %c0_i32_1 = arith.constant 0 : i32
    return %c0_i32, %c0_i32_0 : i32, i32
  }
  func.func @transform_9(%arg0: i32) -> (i32, i32) {
    %c0_i32 = arith.constant 0 : i32
    %c0_i32_0 = arith.constant 0 : i32
    %c0_i32_1 = arith.constant 0 : i32
    return %c0_i32, %c0_i32_0 : i32, i32
  }
  func.func @transform_10(%arg0: i32) -> (i32, i32) {
    %c0_i32 = arith.constant 0 : i32
    %c0_i32_0 = arith.constant 0 : i32
    %c0_i32_1 = arith.constant 0 : i32
    return %c0_i32, %c0_i32_0 : i32, i32
  }
  func.func @transform_11(%arg0: i32) -> (i32, i32) {
    %c0_i32 = arith.constant 0 : i32
    %c0_i32_0 = arith.constant 0 : i32
    %c0_i32_1 = arith.constant 0 : i32
    return %c0_i32, %c0_i32_0 : i32, i32
  }
  func.func @transform_12(%arg0: i32) -> (i32, i32) {
    %c0_i32 = arith.constant 0 : i32
    %c0_i32_0 = arith.constant 0 : i32
    return %arg0, %c0_i32 : i32, i32
  }
}

</mosaic_0001>

<sc_bundles>
// kernel: gather_offload_async_start.1
scs
__scs_entry_jumppad:
0x0: {  	(pc) =	sbr.rel $0x88, $3  }
0x1: {  	(tag) =	ssettag $0x0;
	lr =	simm.s32 $0x1  }
0x2: {  	[smem:$0x3F94] =	sst lr;
	_ =	strace $0xD0000000  }
0x3: {  	_ = 	snop  }
0x4: {  	_ = 	snop  }
0x5: {  	_ = 	snop  }
0x6: {  	_ = 	snop  }
0x7: {  	_ = 	snop  }
__scs_overlays_trampoline_lowered:
0x8: {  	[smem:$0x3FA3] =	sst s0  }
0x9: {  	[smem:$0x3FA4] =	sst s1  }
0xa: {  	[smem:$0x3FA5] =	sst s2  }
0xb: {  	[smem:$0x3FA6] =	sst s3  }
0xc: {  	[smem:$0x3FA7] =	sst s4  }
0xd: {  	[smem:$0x3FA8] =	sst s5  }
0xe: {  	[smem:$0x3FA9] =	sst s6  }
0xf: {  	[smem:$0x3FAA] =	sst s7  }
0x10: {  	[smem:$0x3FAB] =	sst s8  }
0x11: {  	[smem:$0x3FAC] =	sst s9;
	s0 =	simm.s32 @!p0 $0x0  }
0x12: {  	s1 =	sld [smem:$0x3F92];
	s0 =	simm.s32 @p0 $0x1  }
0x13: {  	[smem:$0x3FAD] =	sst s0;
	s0 =	simm.s32 @!p1 $0x0  }
0x14: {  	s2 =	sld [smem:$0x3F91];
	s0 =	simm.s32 @p1 $0x1  }
0x15: {  	[smem:$0x3FAE] =	sst s0;
	s0 =	simm.s32 @!p2 $0x0  }
0x16: {  	s3 =	sld [smem:$0x3FDB];
	s0 =	simm.s32 @p2 $0x1  }
0x17: {  	s4 =	simm.s32 $0x1BF5;
	[smem:$0x3FB0] =	sst s0  }
0x18: {  	s0 =	sld [smem:$0x3F93];
	_ =	swait.ge [sflag:s4], $0x0  }
0x19: {  	s7 =	sld [smem:$0x3F94]  }
0x1a: {  	s8 =	sadd.s32 $0xFFFFE003, lr  }
0x1b: {  	s9 =	sadd.s32 $0xFFFFFEF7, lr;
	s5 =	simm.s32 $0xFFFFFFFF;
	p2 =	slt.u32 s8, $0xFFFFF086  }
0x1c: {  	p1 =	slt.u32 s9, $0xF7A;
	s5 =	simm.s32 @!p2 $0x0  }
0x1d: {  	s5 =	simm.s32 @p1 $0x1;
	p0 =	seq.s32 s7, s2  }
0x1e: {  	s7 =	smul.u32 @!p0 $0xF7A, s2;
	p2 =	seq.s32 @!p0 s5, $0x0  }
0x1f: {  	s9 =	smul.u32 $0xF7A, s1;
	s8 =	simm.s32 @!p0 $0x1BF5;
	p2 =	por !p2, p0  }
0x20: {  	[sflag:s8] =	ssyncset.s32 @!p0 $0xFFFFF086;
	s6 =	sadd.s32 @!p0 s3, s7;
	s7 =	simm.s32 @!p0 $0x108  }
0x21: {  	s3 =	sadd.s32 s3, s9;
	s6 =	sadd.s32 @!p0 $0x88, s6;
	s7 =	simm.s32 @p2 $0x1082  }
0x22: {  	[simem:s7], [sflag:s8] =	dma.local @!p0 [hbm:s6], $0xF7A  }
0x23: {  	s9 =	sor.u32 $0xD0000000, s2;
	s6 =	simm.s32 $0x108;
	_ =	swait.ge @!p0 [sflag:s8], $0x0  }
0x24: {  	s3 =	sadd.s32 $0x88, s3;
	s6 =	simm.s32 @!p1 $0x1082;
	[sflag:s4] =	ssyncset.s32 $0xFFFFF086  }
0x25: {  	[simem:s6], [sflag:s4] =	dma.local [hbm:s3], $0xF7A  }
0x26: {  	[smem:$0x3F94] =	sst s1;
	(tag) =	ssettag s2;
	_ =	strace s9  }
0x27: {  	s1 =	sld [smem:$0x3FA4]  }
0x28: {  	s2 =	sld [smem:$0x3FA5]  }
0x29: {  	s4 =	sld [smem:$0x3FA7]  }
0x2a: {  	p0 =	seq.s32 s5, $0x0;
	s5 =	sld [smem:$0x3FA8]  }
0x2b: {  	s6 =	sld [smem:$0x3FA9]  }
0x2c: {  	s7 =	sld [smem:$0x3FAA]  }
0x2d: {  	s3 =	simm.s32 $0x108;
	s8 =	sld [smem:$0x3FAB]  }
0x2e: {  	s3 =	simm.s32 @!p0 $0x1082;
	s9 =	sld [smem:$0x3FAC]  }
0x2f: {  	lr =	sadd.s32 s0, s3;
	s0 =	sld [smem:$0x3FA3]  }
0x30: {  	s3 =	sld [smem:$0x3FA6]  }
0x31: {  	[smem:$0x3FAF] =	sst s10  }
0x32: {  	s10 =	sld [smem:$0x3FAD];
	_ =	sdelay $0x3  }
0x33: {  	p0 =	seq.s32 s10, $0x1;
	s10 =	sld [smem:$0x3FAF];
	_ =	sdelay $0x3  }
0x34: {  	[smem:$0x3FAF] =	sst s10  }
0x35: {  	s10 =	sld [smem:$0x3FAE];
	_ =	sdelay $0x3  }
0x36: {  	p1 =	seq.s32 s10, $0x1;
	s10 =	sld [smem:$0x3FAF];
	_ =	sdelay $0x3  }
0x37: {  	[smem:$0x3FAF] =	sst s10  }
0x38: {  	s10 =	sld [smem:$0x3FB0]  }
0x39: {  	_ = 	snop;
	(pc) =	sbr.ind lr, $3  }
0x3a: {  	_ = 	snop  }
0x3b: {  	_ = 	snop  }
0x3c: {  	p2 =	seq.s32 s10, $0x1;
	s10 =	sld [smem:$0x3FAF]  }
0x3d: {  	_ =	shalt  }
0x3e: {  	_ =	shalt  }
0x3f: {  	_ =	shalt  }
0x40: {  	_ =	shalt  }
0x41: {  	_ =	shalt  }
0x42: {  	_ =	shalt  }
0x43: {  	_ =	shalt  }
0x44: {  	_ =	shalt  }
0x45: {  	_ =	shalt  }
0x46: {  	_ =	shalt  }
0x47: {  	_ =	shalt  }
0x48: {  	_ =	shalt  }
0x49: {  	_ =	shalt  }
0x4a: {  	_ =	shalt  }
0x4b: {  	_ =	shalt  }
0x4c: {  	_ =	shalt  }
0x4d: {  	_ =	shalt  }
0x4e: {  	_ =	shalt  }
0x4f: {  	_ =	shalt  }
0x50: {  	_ =	shalt  }
0x51: {  	_ =	shalt  }
0x52: {  	_ =	shalt  }
0x53: {  	_ =	shalt  }
0x54: {  	_ =	shalt  }
0x55: {  	_ =	shalt  }
0x56: {  	_ =	shalt  }
0x57: {  	_ =	shalt  }
0x58: {  	_ =	shalt  }
0x59: {  	_ =	shalt  }
0x5a: {  	_ =	shalt  }
0x5b: {  	_ =	shalt  }
0x5c: {  	_ =	shalt  }
0x5d: {  	_ =	shalt  }
0x5e: {  	_ =	shalt  }
0x5f: {  	_ =	shalt  }
0x60: {  	_ =	shalt  }
0x61: {  	_ =	shalt  }
0x62: {  	_ =	shalt  }
0x63: {  	_ =	shalt  }
0x64: {  	_ =	shalt  }
0x65: {  	_ =	shalt  }
0x66: {  	_ =	shalt  }
0x67: {  	_ =	shalt  }
0x68: {  	_ =	shalt  }
0x69: {  	_ =	shalt  }
0x6a: {  	_ =	shalt  }
0x6b: {  	_ =	shalt  }
0x6c: {  	_ =	shalt  }
0x6d: {  	_ =	shalt  }
0x6e: {  	_ =	shalt  }
0x6f: {  	_ =	shalt  }
0x70: {  	_ =	shalt  }
0x71: {  	_ =	shalt  }
0x72: {  	_ =	shalt  }
0x73: {  	_ =	shalt  }
0x74: {  	_ =	shalt  }
0x75: {  	_ =	shalt  }
0x76: {  	_ =	shalt  }
0x77: {  	_ =	shalt  }
0x78: {  	_ =	shalt  }
0x79: {  	_ =	shalt  }
0x7a: {  	_ =	shalt  }
0x7b: {  	_ =	shalt  }
0x7c: {  	_ =	shalt  }
0x7d: {  	_ =	shalt  }
0x7e: {  	_ =	shalt  }
0x7f: {  	_ =	shalt  }
0x80: {  	_ =	shalt  }
0x81: {  	_ =	shalt  }
0x82: {  	_ =	shalt  }
0x83: {  	_ =	shalt  }
0x84: {  	_ =	shalt  }
0x85: {  	_ =	shalt  }
0x86: {  	_ =	shalt  }
0x87: {  	_ =	shalt  }
.Lfunc_end0:
.L_simem_size_0:
called_computation.2_lowered:
.L_overlay_start_0:
0x88: {  	s2 =	sld [smem:$0x3FD9]  }
0x89: {  	s3 =	sld [smem:$0x3FFE];
	_ =	sdelay $0x1  }
0x8a: {  	s1 =	srdreg.scid  }
0x8b: {  	s0 =	sand.u32 $0x1, s1  }
0x8c: {  	s17 =	sshll.u32 s0, $0xA;
	s2 =	sadd.s32 s3, s2  }
0x8d: {  	s2 =	sadd.s32 s2, s17  }
0x8e: {  	[smem:$0x3FBB] =	sst s2  }
0x8f: {  	_ = 	snop  }
0x90: {  	(tm) =	ssettm $0x1  }
0x91: {  	s18 =	sld [smem:$0x3FFB];
	_ =	sdelay $0x3  }
0x92: {  	_ =	strace s18  }
0x93: {  	s2 =	sld [smem:$0x3FFC];
	_ =	sdelay $0x3  }
0x94: {  	_ =	strace s2  }
0x95: {  	s2 =	sld [smem:$0x3FFD];
	_ =	sdelay $0x3  }
0x96: {  	_ =	strace s2  }
0x97: {  	_ =	strace $0x8FFFFFFF  }
0x98: {  	s19 =	sld [smem:$0x3FDB];
	_ =	sdelay $0x1  }
0x99: {  	s20 =	simm.s32 $_scs_section_size  }
0x9a: {  	s4 =	simm.s32 $_size__tile_overlayer_lowered;
	s5 =	simm.s32 $_tile_overlayer_lowered  }
0x9b: {  	s6 =	simm.s32 $0x1BFF;
	s21 =	sshll.u32 s5, $0x1;
	s3 =	sadd.s32 s20, s19  }
0x9c: {  	s22 =	simm.s32 $0x0;
	s4 =	sshll.u32 s4, $0x1;
	s5 =	sadd.s32 s21, s3  }
0x9d: {  	[timem:s22], [sflag:s6] =	dma.local [hbm:s5], s4  }
0x9e: {  	_ =	swait.ge [sflag:s6], s4  }
0x9f: {  	s4 =	ssub.s32 $0x0, s4;
	[sflag:s6] =	ssyncset.done $0x0  }
0xa0: {  	[sflag:s6] =	ssyncadd.s32 s4;
	_ =	sdelay $0x1  }
0xa1: {  	s23 =	simm.s32 $0x1B8B  }
0xa2: {  	_ =	swait.ge [sflag:s23], $0x1  }
0xa3: {  	[sflag:s23] =	ssyncset.done $0x0  }
0xa4: {  	[sflag:s23] =	ssyncadd.s32 $0xFFFFFFFF  }
0xa5: {  	s4 =	sld [smem:$0x0]  }
0xa6: {  	s5 =	sand.u32 $0xFFFFFFFE, s1  }
0xa7: {  	p0 =	sne.s32 s1, s5  }
0xa8: {  	s5 =	sshll.u32 @p0 s5, $0xE  }
0xa9: {  	s5 =	sadd.s32 @p0 $0x11B8D, s5;
	s6 =	sshll.u32 @p0 s4, $0x11  }
0xaa: {  	s5 =	sor.u32 @p0 s6, s5  }
0xab: {  	[sflag:s5] =	ssyncadd.remote.s32 @p0 $0x1;
	_ =	sdelay $0x1  }
0xac: {  	s5 =	simm.s32 @p0 $0x1B8D  }
0xad: {  	_ =	swait.eq @p0 [sflag:s5], $0x1  }
0xae: {  	[sflag:s5] =	ssyncadd.s32 @p0 $0xFFFFFFFF  }
0xaf: {  	s6 =	sshll.u32 @!p0 s1, $0xE  }
0xb0: {  	s6 =	sor.u32 @!p0 $0x4000, s6;
	s5 =	simm.s32 @!p0 $0x1B8D  }
0xb1: {  	s4 =	sshll.u32 @!p0 s4, $0x11;
	s6 =	sadd.s32 @!p0 $0x11B8D, s6;
	_ =	swait.eq @!p0 [sflag:s5], $0x1  }
0xb2: {  	s4 =	sor.u32 @!p0 s4, s6;
	[sflag:s5] =	ssyncadd.s32 @!p0 $0xFFFFFFFF  }
0xb3: {  	s25 =	simm.s32 $0x1B8E;
	s24 =	sld [smem:$0x3FFE];
	[sflag:s4] =	ssyncadd.remote.s32 @!p0 $0x1  }
0xb4: {  	s26 =	simm.s32 $execute0_lowered;
	[smem:$0x3FD2] =	sst s25  }
0xb5: {  	s5 =	sshll.u32 s26, $0x1;
	_ =	strace $0x8000004C;
	[dreg:$0x1] =	wrdreg $0xFFFFFFFF  }
0xb6: {  	s28 =	simm.s32 $_size_execute0_lowered;
	s3 =	sadd.s32 s3, s5;
	[dreg:$0x0] =	wrdreg $0x0  }
0xb7: {  	s5 =	sshll.u32 s28, $0x1;
	[dreg:$0x2] =	wrdreg s3  }
0xb8: {  	[dreg:$0x3] =	wrdreg s5  }
0xb9: {  	[dreg:$0x4] =	wrdreg $0xC0  }
0xba: {  	_ =	task [dreg:s22], $0x5FFFF  }
0xbb: {  	[dreg:$0x1] =	wrdreg $0xFFFFFFFF  }
0xbc: {  	[dreg:$0x0] =	wrdreg $0x60  }
0xbd: {  	[dreg:$0x2] =	wrdreg s24  }
0xbe: {  	[dreg:$0x3] =	wrdreg $0xA  }
0xbf: {  	_ =	task.clear_ibuf [dreg:s22], $0x4FFFF;
	_ =	strace $0x9000004C  }
0xc0: {  	s29 =	simm.s32 $0xA;
	_ =	strace $0x8000004E  }
0xc1: {  	_ =	swait.ge [sflag:s29], $0x1  }
0xc2: {  	[sflag:s29] =	ssyncadd.s32 $0xFFFFFFFF  }
0xc3: {  	_ =	strace $0x9000004E  }
0xc4: {  	_ =	sfence  }
0xc5: {  	s30 =	sld [smem:$0x0];
	_ =	sdelay $0x2  }
0xc6: {  	s31 =	sshll.u32 s1, $0xD;
	s1 =	sshrl.u32 s1, $0x2  }
0xc7: {  	s4 =	sand.u32 $0x4000, s31;
	s1 =	sadd.s32 s1, s30  }
0xc8: {  	s0 =	sor.u32 s4, s0;
	s1 =	sshll.u32 s1, $0x11  }
0xc9: {  	s0 =	sor.u32 s1, s0  }
0xca: {  	s0 =	sadd.s32 $0x8F2B, s0  }
0xcb: {  	[sflag:s0] =	ssyncadd.remote.s32 $0x1  }
0xcc: {  	_ =	sfence.sel $0xFFFF  }
0xcd: {  	[dreg:$0x0] =	wrdreg $0xFFFFFFFF;
	(pc) =	sbr.abs _section_cstart, $3  }
0xce: {  	[dreg:$0x1] =	wrdreg $0xFFFFFFFF  }
0xcf: {  	_ =	task.clear_ibuf [dreg:s22], $0x2FFFF;
	_ =	strace $0x9FFFFFFF  }
0xd0: {  	(tm) =	ssettm $0x7FFFFFFF  }
0xd1: {  	_ =	shalt  }
tec
execute0_lowered:
.L_overlay_start_1:
0x0: {  	(tag) =	ssettag $0x1  }
0x1: {  	s0 =	srdreg.scid;
	s5 =	rddreg [dreg:$0x0]  }
0x2: {  	s1 =	stileid.u32;
	s6 =	simm.s32 $0x1;
	s9 =	simm.s32 $0x1  }
0x3: {  	s10 =	simm.s32 $0x3;
	s13 =	simm.s32 $0x0;
	s2 =	sshll.u32 s0, $0x9  }
0x4: {  	s12 =	simm.s32 $0x0;
	s3 =	sshll.u32 s1, $0xA;
	s2 =	sand.u32 $0x200, s2  }
0x5: {  	s0 =	rddreg [dreg:$0x1];
	_ =	strace $0x8000004D;
	s2 =	sor.u32 s3, s2  }
0x6: {  	s4 =	sadd.s32 $0x2E7000, s5;
	[sflag:s6] =	ssyncpa.u1 $0x0;
	s8 =	ssub.s32 $0x6000, s2  }
.Ltmp0:
0x7: {  	s3 =	sadd.s32 $0x147000, s5;
	s7 =	sand.u32 $0x3E00, s8;
	(pc) =	sbr.rel .LBB2_1-.Ltmp0, $4  }
0x8: {  	s5 =	sadd.s32 $0x47C00, s5;
	s11 =	smov.u32 s2;
	p0 =	sne.s32 s7, $0x0  }
0x9: {  	s8 =	sshrl.u32 s8, $0xE;
	s7 =	simm.s32 $0x2;
	s9 =	simm.s32 @!p0 $0x0  }
0xa: {  	[sflag:s7] =	ssyncpa.u1 $0x0;
	p0 =	por $0x0, $0x0;
	s8 =	sadd.s32 s9, s8  }
0xb: {  	vm0 =	vmmov $0xffff;
	[sflag:s10] =	ssyncpa.u1 $0x0;
	s10 =	simm.s32 $0x0;
	s9 =	sadd.s32 $0x1, s8  }
.LBB2_4:
0xc: {  	v2 =	vnsel vm1, $0x0, v2  }
0xd: {  	vm1 =	vgt.s32 v0, $0x0;
	v2 =	vmin.u32 v2, $0x7FFFFF  }
0xe: {  	v0 =	vnsel vm1, $0x0, v0  }
0xf: {  	v0 =	vmin.u32 v0, $0x7FFFFF  }
0x10: {  	[tilespmem:s15], [sflag:$0x1] =	stream.indirect_vreg.gather [hbm4b:s3+s10], $0x1, v1, vm0, $0x4038;
	[tilespmem:$0x800] =	vst v63  }
0x11: {  	(ifvalue) =	ssetifvalue $0x7FFFFFFF  }
0x12: {  	[tilespmem:s16], [sflag:$0x1] =	stream.indirect_vreg.gather [hbm4b:s3+s10], $0x1, v2, vm0, $0x4038;
	[tilespmem:$0x800] =	vst v63  }
0x13: {  	s29 =	sadd.s32 $0x10, s16;
	(ifvalue) =	ssetifvalue $0x7FFFFFFF  }
0x14: {  	[tilespmem:s29], [sflag:$0x1] =	stream.indirect_vreg.gather [hbm4b:s3+s10], $0x1, v0, vm0, $0x4038;
	[tilespmem:$0x800] =	vst v63  }
0x15: {  	_ =	swait.ge [sflag:s6], $0x200  }
0x16: {  	s30 =	sshrl.u32 s13, $0x3;
	[sflag:s6] =	ssyncset.done $0x0  }
0x17: {  	s31 =	sand.u32 $0x7, s13;
	s15 =	sadd.s32 s5, s30;
	[sflag:s6] =	ssyncadd.s32 $0xFFFFFE00  }
0x18: {  	[hbm4b:s15+s31] =	stream.linear.scatter [tilespmem:s14], [sflag:$0x3], $0x200, $0x38;
	[tilespmem:$0x800] =	vst v63  }
.LBB2_5:
0x19: {  	s15 =	sadd.s32 $0x4000, s11  }
0x1a: {  	p2 =	sgt.s32 s15, $0x5FFF  }
0x1b: {  	s15 =	smov.u32 @p2 s2;
	p2 =	sne.s32 s12, s9  }
.Ltmp1:
0x1c: {  	p1 =	slt.u32 s12, $0x2;
	(pc) =	sbr.rel @!p2 .LBB2_6-.Ltmp1, $4  }
0x1d: {  	s14 =	simm.s32 @!p1 $0x3  }
0x1e: {  	s16 =	sadd.s32 $0x1, s12;
	_ =	swait.ge @!p1 [sflag:s14], $0x200  }
0x1f: {  	s13 =	smov.u32 s11;
	p0 =	por !p0, !p0;
	[sflag:s14] =	ssyncset.done @!p1 $0x0  }
0x20: {  	s12 =	smov.u32 s16;
	s11 =	smov.u32 s15;
	[sflag:s14] =	ssyncadd.s32 @!p1 $0xFFFFFE00  }
.LBB2_1:
0x21: {  	p1 =	sge.u32 s12, s8  }
0x22: {  	s14 =	sxor.u32 @!p1 $0xFFFFFFFF, s12  }
0x23: {  	s31 =	sadd.s32 $0xFFFFFFFF, s12;
	s15 =	sshrl.u32 @!p1 s11, $0x3;
	s14 =	sshll.u32 @!p1 s14, $0x9  }
0x24: {  	s16 =	sand.u32 @!p1 $0x7, s11;
	s15 =	sadd.s32 @!p1 s4, s15;
	s14 =	sand.u32 @!p1 $0x200, s14  }
0x25: {  	[tilespmem:s14], [sflag:$0x2] =	stream.linear.gather @!p1 [hbm4b:s15+s16], $0x200, $0x38;
	[tilespmem:$0x800] =	vst v63  }
0x26: {  	p1 =	sge.u32 s31, s8  }
.Ltmp2:
0x27: {  	_ = 	snop;
	(pc) =	sbr.rel @p1 .LBB2_5-.Ltmp2, $1  }
0x28: {  	_ =	sdelay $0x3  }
0x29: {  	s14 =	simm.s32 $0x1  }
0x2a: {  	_ =	swait.ge [sflag:s7], $0x200;
	s14 =	simm.s32 @!p0 $0x0  }
0x2b: {  	[sflag:s7] =	ssyncset.done $0x0;
	s14 =	sshll.u32 s14, $0x9  }
0x2c: {  	[sflag:s7] =	ssyncadd.s32 $0xFFFFFE00;
	(ifvalue) =	ssetifvalue $0x7FFFFFFF;
	v0 =	vld.msk [tilespmem:s14+$0x0 ss:$0x1], $0xffff;
	_ =	sdelay $0x4  }
0x2d: {  	s15 =	sadd.s32 $0x10, s14;
	vm1 =	vgt.s32 v0, $0x0  }
0x2e: {  	v2 =	vld.msk [tilespmem:s15+$0x0 ss:$0x1], $0xffff;
	v1 =	vnsel vm1, $0x0, v0  }
0x2f: {  	v1 =	vmin.u32 v1, $0x7FFFFF;
	_ =	sdelay $0x1  }
0x30: {  	s16 =	sshll.u32 s12, $0x9;
	s18 =	simm.s32 $0x20  }
0x31: {  	s16 =	sand.u32 $0x200, s16;
	s17 =	sadd.s32 $0x10, s15;
	s15 =	sor.u32 $0x400, s14  }
0x32: {  	s14 =	sor.u32 $0x400, s16;
	s16 =	sadd.s32 $0x10, s15;
	v0 =	vld.msk [tilespmem:s17+$0x0 ss:$0x1], $0xffff;
	vm1 =	vgt.s32 v2, $0x0;
	(ifvalue) =	ssetifvalue $0x7FFFFFFF  }
.LBB2_3:
0x33: {  	[tilespmem:s15], [sflag:$0x1] =	stream.indirect_vreg.gather [hbm4b:s3+s10], $0x1, v1, vm0, $0x4038;
	[tilespmem:$0x800] =	vst v63  }
0x34: {  	s18 =	sadd.s32 $0x10, s18  }
0x35: {  	v2 =	vnsel vm1, $0x0, v2;
	p1 =	slt.u32 s18, $0x1F0  }
.Ltmp3:
0x36: {  	s15 =	smov.u32 s16;
	v1 =	vmin.u32 v2, $0x7FFFFF;
	(pc) =	sbr.rel @p1 .LBB2_3-.Ltmp3, $3  }
0x37: {  	_ =	sdelay $0x1  }
0x38: {  	s17 =	sadd.s32 $0x10, s17  }
0x39: {  	vm1 =	vgt.s32 v0, $0x0;
	s16 =	sadd.s32 $0x10, s16;
	v2 =	vmov v0;
	(ifvalue) =	ssetifvalue $0x7FFFFFFF;
	v0 =	vld.msk [tilespmem:s17+$0x0 ss:$0x1], $0xffff  }
.Ltmp4:
0x3a: {  	_ = 	snop;
	(pc) =	sbr.rel .LBB2_4-.Ltmp4, $1  }
0x3b: {  	_ =	sdelay $0x3  }
.LBB2_6:
0x3c: {  	_ =	sfence.sel $0x180000  }
0x3d: {  	s2 =	simm.s32 $0x2;
	[bflag:$0x0] =	sbarrier.arrive $0xFFFF  }
0x3e: {  	s30 =	simm.s32 $0x3;
	[sflag:s2] =	ssyncpa.u1 $0x1  }
0x3f: {  	s31 =	simm.s32 $0x1;
	[sflag:s30] =	ssyncpa.u1 $0x1  }
0x40: {  	[sflag:s31] =	ssyncpa.u1 $0x1  }
0x41: {  	p0 =	sne.s32 s1, $0x0;
	_ =	strace $0x9000004D  }
0x42: {  	s0 =	sadd.s32 @!p0 $0x100000, s0;
	[bflag:$0x2] =	sbarrier.arrive $0xFFFF  }
0x43: {  	[sflag:s0] =	ssyncadd.tile.s32 @!p0 $0x1;
	_ =	shalt  }
.Lfunc_end2:
_tile_overlayer_lowered:
.L_overlay_start_2:
0x44: {  	(tag) =	ssettag $0x2  }
0x45: {  	s0 =	rddreg [dreg:$0x0];
	s2 =	stileid.u32  }
0x46: {  	s1 =	rddreg [dreg:$0x1];
	p0 =	sne.s32 s2, $0x0  }
0x47: {  	s3 =	rddreg [dreg:$0x2];
	[bflag:$0x3] =	sbarrier.arrive $0xFFFF;
	s2 =	simm.s32 @!p0 $0x1C01  }
0x48: {  	[timem:s3], [sflag:s2] =	dma.local @!p0 [hbm:s0], s1  }
0x49: {  	s0 =	simm.s32 @!p0 $0x1  }
0x4a: {  	_ =	swait.ge @!p0 [sflag:s0], s1  }
0x4b: {  	s1 =	ssub.s32 @!p0 $0x0, s1;
	[sflag:s0] =	ssyncset.done @!p0 $0x0  }
0x4c: {  	[sflag:s0] =	ssyncadd.s32 @!p0 s1  }
0x4d: {  	[bflag:$0x3] =	sbarrier.arrive $0xFFFF  }
0x4e: {  	_ =	shalt  }

// kernel: gather_offload_async_start
scs
__scs_entry_jumppad:
0x0: {  	(pc) =	sbr.rel $0x88, $3  }
0x1: {  	(tag) =	ssettag $0x0;
	lr =	simm.s32 $0x1  }
0x2: {  	[smem:$0x3F94] =	sst lr;
	_ =	strace $0xD0000000  }
0x3: {  	_ = 	snop  }
0x4: {  	_ = 	snop  }
0x5: {  	_ = 	snop  }
0x6: {  	_ = 	snop  }
0x7: {  	_ = 	snop  }
__scs_overlays_trampoline_lowered:
0x8: {  	[smem:$0x3FA3] =	sst s0  }
0x9: {  	[smem:$0x3FA4] =	sst s1  }
0xa: {  	[smem:$0x3FA5] =	sst s2  }
0xb: {  	[smem:$0x3FA6] =	sst s3  }
0xc: {  	[smem:$0x3FA7] =	sst s4  }
0xd: {  	[smem:$0x3FA8] =	sst s5  }
0xe: {  	[smem:$0x3FA9] =	sst s6  }
0xf: {  	[smem:$0x3FAA] =	sst s7  }
0x10: {  	[smem:$0x3FAB] =	sst s8  }
0x11: {  	[smem:$0x3FAC] =	sst s9;
	s0 =	simm.s32 @!p0 $0x0  }
0x12: {  	s1 =	sld [smem:$0x3F92];
	s0 =	simm.s32 @p0 $0x1  }
0x13: {  	[smem:$0x3FAD] =	sst s0;
	s0 =	simm.s32 @!p1 $0x0  }
0x14: {  	s2 =	sld [smem:$0x3F91];
	s0 =	simm.s32 @p1 $0x1  }
0x15: {  	[smem:$0x3FAE] =	sst s0;
	s0 =	simm.s32 @!p2 $0x0  }
0x16: {  	s3 =	sld [smem:$0x3FDB];
	s0 =	simm.s32 @p2 $0x1  }
0x17: {  	s4 =	simm.s32 $0x1BF5;
	[smem:$0x3FB0] =	sst s0  }
0x18: {  	s0 =	sld [smem:$0x3F93];
	_ =	swait.ge [sflag:s4], $0x0  }
0x19: {  	s7 =	sld [smem:$0x3F94]  }
0x1a: {  	s8 =	sadd.s32 $0xFFFFE003, lr  }
0x1b: {  	s9 =	sadd.s32 $0xFFFFFEF7, lr;
	s5 =	simm.s32 $0xFFFFFFFF;
	p2 =	slt.u32 s8, $0xFFFFF086  }
0x1c: {  	p1 =	slt.u32 s9, $0xF7A;
	s5 =	simm.s32 @!p2 $0x0  }
0x1d: {  	s5 =	simm.s32 @p1 $0x1;
	p0 =	seq.s32 s7, s2  }
0x1e: {  	s7 =	smul.u32 @!p0 $0xF7A, s2;
	p2 =	seq.s32 @!p0 s5, $0x0  }
0x1f: {  	s9 =	smul.u32 $0xF7A, s1;
	s8 =	simm.s32 @!p0 $0x1BF5;
	p2 =	por !p2, p0  }
0x20: {  	[sflag:s8] =	ssyncset.s32 @!p0 $0xFFFFF086;
	s6 =	sadd.s32 @!p0 s3, s7;
	s7 =	simm.s32 @!p0 $0x108  }
0x21: {  	s3 =	sadd.s32 s3, s9;
	s6 =	sadd.s32 @!p0 $0x88, s6;
	s7 =	simm.s32 @p2 $0x1082  }
0x22: {  	[simem:s7], [sflag:s8] =	dma.local @!p0 [hbm:s6], $0xF7A  }
0x23: {  	s9 =	sor.u32 $0xD0000000, s2;
	s6 =	simm.s32 $0x108;
	_ =	swait.ge @!p0 [sflag:s8], $0x0  }
0x24: {  	s3 =	sadd.s32 $0x88, s3;
	s6 =	simm.s32 @!p1 $0x1082;
	[sflag:s4] =	ssyncset.s32 $0xFFFFF086  }
0x25: {  	[simem:s6], [sflag:s4] =	dma.local [hbm:s3], $0xF7A  }
0x26: {  	[smem:$0x3F94] =	sst s1;
	(tag) =	ssettag s2;
	_ =	strace s9  }
0x27: {  	s1 =	sld [smem:$0x3FA4]  }
0x28: {  	s2 =	sld [smem:$0x3FA5]  }
0x29: {  	s4 =	sld [smem:$0x3FA7]  }
0x2a: {  	p0 =	seq.s32 s5, $0x0;
	s5 =	sld [smem:$0x3FA8]  }
0x2b: {  	s6 =	sld [smem:$0x3FA9]  }
0x2c: {  	s7 =	sld [smem:$0x3FAA]  }
0x2d: {  	s3 =	simm.s32 $0x108;
	s8 =	sld [smem:$0x3FAB]  }
0x2e: {  	s3 =	simm.s32 @!p0 $0x1082;
	s9 =	sld [smem:$0x3FAC]  }
0x2f: {  	lr =	sadd.s32 s0, s3;
	s0 =	sld [smem:$0x3FA3]  }
0x30: {  	s3 =	sld [smem:$0x3FA6]  }
0x31: {  	[smem:$0x3FAF] =	sst s10  }
0x32: {  	s10 =	sld [smem:$0x3FAD];
	_ =	sdelay $0x3  }
0x33: {  	p0 =	seq.s32 s10, $0x1;
	s10 =	sld [smem:$0x3FAF];
	_ =	sdelay $0x3  }
0x34: {  	[smem:$0x3FAF] =	sst s10  }
0x35: {  	s10 =	sld [smem:$0x3FAE];
	_ =	sdelay $0x3  }
0x36: {  	p1 =	seq.s32 s10, $0x1;
	s10 =	sld [smem:$0x3FAF];
	_ =	sdelay $0x3  }
0x37: {  	[smem:$0x3FAF] =	sst s10  }
0x38: {  	s10 =	sld [smem:$0x3FB0]  }
0x39: {  	_ = 	snop;
	(pc) =	sbr.ind lr, $3  }
0x3a: {  	_ = 	snop  }
0x3b: {  	_ = 	snop  }
0x3c: {  	p2 =	seq.s32 s10, $0x1;
	s10 =	sld [smem:$0x3FAF]  }
0x3d: {  	_ =	shalt  }
0x3e: {  	_ =	shalt  }
0x3f: {  	_ =	shalt  }
0x40: {  	_ =	shalt  }
0x41: {  	_ =	shalt  }
0x42: {  	_ =	shalt  }
0x43: {  	_ =	shalt  }
0x44: {  	_ =	shalt  }
0x45: {  	_ =	shalt  }
0x46: {  	_ =	shalt  }
0x47: {  	_ =	shalt  }
0x48: {  	_ =	shalt  }
0x49: {  	_ =	shalt  }
0x4a: {  	_ =	shalt  }
0x4b: {  	_ =	shalt  }
0x4c: {  	_ =	shalt  }
0x4d: {  	_ =	shalt  }
0x4e: {  	_ =	shalt  }
0x4f: {  	_ =	shalt  }
0x50: {  	_ =	shalt  }
0x51: {  	_ =	shalt  }
0x52: {  	_ =	shalt  }
0x53: {  	_ =	shalt  }
0x54: {  	_ =	shalt  }
0x55: {  	_ =	shalt  }
0x56: {  	_ =	shalt  }
0x57: {  	_ =	shalt  }
0x58: {  	_ =	shalt  }
0x59: {  	_ =	shalt  }
0x5a: {  	_ =	shalt  }
0x5b: {  	_ =	shalt  }
0x5c: {  	_ =	shalt  }
0x5d: {  	_ =	shalt  }
0x5e: {  	_ =	shalt  }
0x5f: {  	_ =	shalt  }
0x60: {  	_ =	shalt  }
0x61: {  	_ =	shalt  }
0x62: {  	_ =	shalt  }
0x63: {  	_ =	shalt  }
0x64: {  	_ =	shalt  }
0x65: {  	_ =	shalt  }
0x66: {  	_ =	shalt  }
0x67: {  	_ =	shalt  }
0x68: {  	_ =	shalt  }
0x69: {  	_ =	shalt  }
0x6a: {  	_ =	shalt  }
0x6b: {  	_ =	shalt  }
0x6c: {  	_ =	shalt  }
0x6d: {  	_ =	shalt  }
0x6e: {  	_ =	shalt  }
0x6f: {  	_ =	shalt  }
0x70: {  	_ =	shalt  }
0x71: {  	_ =	shalt  }
0x72: {  	_ =	shalt  }
0x73: {  	_ =	shalt  }
0x74: {  	_ =	shalt  }
0x75: {  	_ =	shalt  }
0x76: {  	_ =	shalt  }
0x77: {  	_ =	shalt  }
0x78: {  	_ =	shalt  }
0x79: {  	_ =	shalt  }
0x7a: {  	_ =	shalt  }
0x7b: {  	_ =	shalt  }
0x7c: {  	_ =	shalt  }
0x7d: {  	_ =	shalt  }
0x7e: {  	_ =	shalt  }
0x7f: {  	_ =	shalt  }
0x80: {  	_ =	shalt  }
0x81: {  	_ =	shalt  }
0x82: {  	_ =	shalt  }
0x83: {  	_ =	shalt  }
0x84: {  	_ =	shalt  }
0x85: {  	_ =	shalt  }
0x86: {  	_ =	shalt  }
0x87: {  	_ =	shalt  }
.Lfunc_end0:
.L_simem_size_0:
called_computation.1_lowered:
.L_overlay_start_0:
0x88: {  	s2 =	sld [smem:$0x3FD9]  }
0x89: {  	s3 =	sld [smem:$0x3FFE];
	_ =	sdelay $0x1  }
0x8a: {  	s1 =	srdreg.scid  }
0x8b: {  	s0 =	sand.u32 $0x1, s1  }
0x8c: {  	s16 =	sshll.u32 s0, $0xA;
	s2 =	sadd.s32 s3, s2  }
0x8d: {  	s2 =	sadd.s32 s2, s16  }
0x8e: {  	[smem:$0x3FBB] =	sst s2  }
0x8f: {  	_ = 	snop  }
0x90: {  	(tm) =	ssettm $0x1  }
0x91: {  	s17 =	sld [smem:$0x3FFB];
	_ =	sdelay $0x3  }
0x92: {  	_ =	strace s17  }
0x93: {  	s2 =	sld [smem:$0x3FFC];
	_ =	sdelay $0x3  }
0x94: {  	_ =	strace s2  }
0x95: {  	s2 =	sld [smem:$0x3FFD];
	_ =	sdelay $0x3  }
0x96: {  	_ =	strace s2  }
0x97: {  	_ =	strace $0x8FFFFFFF  }
0x98: {  	s18 =	sld [smem:$0x3FDB];
	_ =	sdelay $0x1  }
0x99: {  	s19 =	simm.s32 $_scs_section_size  }
0x9a: {  	s4 =	simm.s32 $_size__tile_overlayer_lowered;
	s5 =	simm.s32 $_tile_overlayer_lowered  }
0x9b: {  	s22 =	simm.s32 $0x1BFF;
	s21 =	sshll.u32 s5, $0x1;
	s2 =	sadd.s32 s19, s18  }
0x9c: {  	s6 =	simm.s32 $0x0;
	s20 =	sshll.u32 s4, $0x1;
	s4 =	sadd.s32 s21, s2  }
0x9d: {  	[timem:s6], [sflag:s22] =	dma.local [hbm:s4], s20  }
0x9e: {  	_ =	swait.ge [sflag:s22], s20  }
0x9f: {  	s3 =	ssub.s32 $0x0, s20;
	[sflag:s22] =	ssyncset.done $0x0  }
0xa0: {  	[sflag:s22] =	ssyncadd.s32 s3;
	_ =	sdelay $0x1  }
0xa1: {  	s23 =	simm.s32 $0x1B8B  }
0xa2: {  	_ =	swait.ge [sflag:s23], $0x1  }
0xa3: {  	[sflag:s23] =	ssyncset.done $0x0  }
0xa4: {  	s25 =	simm.s32 $0x1B8E;
	s24 =	sld [smem:$0x3FFE];
	[sflag:s23] =	ssyncadd.s32 $0xFFFFFFFF  }
0xa5: {  	s26 =	simm.s32 $execute0_lowered;
	[smem:$0x3FD2] =	sst s25  }
0xa6: {  	s4 =	sshll.u32 s26, $0x1;
	_ =	strace $0x80000049;
	[dreg:$0x1] =	wrdreg $0xFFFFFFFF  }
0xa7: {  	s28 =	simm.s32 $_size_execute0_lowered;
	s2 =	sadd.s32 s2, s4;
	[dreg:$0x0] =	wrdreg $0x0  }
0xa8: {  	s4 =	sshll.u32 s28, $0x1;
	[dreg:$0x2] =	wrdreg s2  }
0xa9: {  	[dreg:$0x3] =	wrdreg s4  }
0xaa: {  	[dreg:$0x4] =	wrdreg $0xC0  }
0xab: {  	_ =	task [dreg:s6], $0x5FFFF  }
0xac: {  	[dreg:$0x1] =	wrdreg $0xFFFFFFFF  }
0xad: {  	[dreg:$0x0] =	wrdreg $0x60  }
0xae: {  	[dreg:$0x2] =	wrdreg s24  }
0xaf: {  	[dreg:$0x3] =	wrdreg $0x9  }
0xb0: {  	_ =	task.clear_ibuf [dreg:s6], $0x4FFFF;
	_ =	strace $0x90000049  }
0xb1: {  	s29 =	simm.s32 $0x9;
	_ =	strace $0x8000004B  }
0xb2: {  	_ =	swait.ge [sflag:s29], $0x1  }
0xb3: {  	[sflag:s29] =	ssyncadd.s32 $0xFFFFFFFF  }
0xb4: {  	_ =	strace $0x9000004B  }
0xb5: {  	_ =	sfence  }
0xb6: {  	s30 =	sld [smem:$0x0];
	_ =	sdelay $0x2  }
0xb7: {  	s31 =	sshll.u32 s1, $0xD;
	s1 =	sshrl.u32 s1, $0x2  }
0xb8: {  	s3 =	sand.u32 $0x4000, s31;
	s1 =	sadd.s32 s1, s30  }
0xb9: {  	s0 =	sor.u32 s3, s0;
	s1 =	sshll.u32 s1, $0x11  }
0xba: {  	s0 =	sor.u32 s1, s0  }
0xbb: {  	s0 =	sadd.s32 $0x8F2B, s0  }
0xbc: {  	[sflag:s0] =	ssyncadd.remote.s32 $0x1  }
0xbd: {  	_ =	sfence.sel $0xFFFF  }
0xbe: {  	[dreg:$0x0] =	wrdreg $0xFFFFFFFF;
	(pc) =	sbr.abs _section_cstart, $3  }
0xbf: {  	[dreg:$0x1] =	wrdreg $0xFFFFFFFF  }
0xc0: {  	_ =	task.clear_ibuf [dreg:s6], $0x2FFFF;
	_ =	strace $0x9FFFFFFF  }
0xc1: {  	(tm) =	ssettm $0x7FFFFFFF  }
tec
execute0_lowered:
.L_overlay_start_1:
0x0: {  	(tag) =	ssettag $0x1  }
0x1: {  	s0 =	srdreg.scid;
	s5 =	rddreg [dreg:$0x0]  }
0x2: {  	s1 =	stileid.u32;
	s6 =	simm.s32 $0x1;
	s9 =	simm.s32 $0x1  }
0x3: {  	s10 =	simm.s32 $0x3;
	s13 =	simm.s32 $0x0;
	s2 =	sshll.u32 s0, $0x9  }
0x4: {  	s12 =	simm.s32 $0x0;
	s3 =	sshll.u32 s1, $0xA;
	s2 =	sand.u32 $0x200, s2  }
0x5: {  	s0 =	rddreg [dreg:$0x1];
	_ =	strace $0x8000004A;
	s2 =	sor.u32 s3, s2  }
0x6: {  	s4 =	sadd.s32 $0x2E7C00, s5;
	[sflag:s6] =	ssyncpa.u1 $0x0;
	s8 =	ssub.s32 $0x6000, s2  }
.Ltmp0:
0x7: {  	s3 =	sadd.s32 $0x147000, s5;
	s7 =	sand.u32 $0x3E00, s8;
	(pc) =	sbr.rel .LBB2_1-.Ltmp0, $4  }
0x8: {  	s5 =	sadd.s32 $0x47000, s5;
	s11 =	smov.u32 s2;
	p0 =	sne.s32 s7, $0x0  }
0x9: {  	s8 =	sshrl.u32 s8, $0xE;
	s7 =	simm.s32 $0x2;
	s9 =	simm.s32 @!p0 $0x0  }
0xa: {  	[sflag:s7] =	ssyncpa.u1 $0x0;
	p0 =	por $0x0, $0x0;
	s8 =	sadd.s32 s9, s8  }
0xb: {  	vm0 =	vmmov $0xffff;
	[sflag:s10] =	ssyncpa.u1 $0x0;
	s10 =	simm.s32 $0x0;
	s9 =	sadd.s32 $0x1, s8  }
.LBB2_4:
0xc: {  	v2 =	vnsel vm1, $0x0, v2  }
0xd: {  	vm1 =	vgt.s32 v0, $0x0;
	v2 =	vmin.u32 v2, $0x7FFFFF  }
0xe: {  	v0 =	vnsel vm1, $0x0, v0  }
0xf: {  	v0 =	vmin.u32 v0, $0x7FFFFF  }
0x10: {  	[tilespmem:s15], [sflag:$0x1] =	stream.indirect_vreg.gather [hbm4b:s3+s10], $0x1, v1, vm0, $0x4038;
	[tilespmem:$0x800] =	vst v63  }
0x11: {  	(ifvalue) =	ssetifvalue $0x7FFFFFFF  }
0x12: {  	[tilespmem:s16], [sflag:$0x1] =	stream.indirect_vreg.gather [hbm4b:s3+s10], $0x1, v2, vm0, $0x4038;
	[tilespmem:$0x800] =	vst v63  }
0x13: {  	s29 =	sadd.s32 $0x10, s16;
	(ifvalue) =	ssetifvalue $0x7FFFFFFF  }
0x14: {  	[tilespmem:s29], [sflag:$0x1] =	stream.indirect_vreg.gather [hbm4b:s3+s10], $0x1, v0, vm0, $0x4038;
	[tilespmem:$0x800] =	vst v63  }
0x15: {  	_ =	swait.ge [sflag:s6], $0x200  }
0x16: {  	s30 =	sshrl.u32 s13, $0x3;
	[sflag:s6] =	ssyncset.done $0x0  }
0x17: {  	s31 =	sand.u32 $0x7, s13;
	s15 =	sadd.s32 s5, s30;
	[sflag:s6] =	ssyncadd.s32 $0xFFFFFE00  }
0x18: {  	[hbm4b:s15+s31] =	stream.linear.scatter [tilespmem:s14], [sflag:$0x3], $0x200, $0x38;
	[tilespmem:$0x800] =	vst v63  }
.LBB2_5:
0x19: {  	s15 =	sadd.s32 $0x4000, s11  }
0x1a: {  	p2 =	sgt.s32 s15, $0x5FFF  }
0x1b: {  	s15 =	smov.u32 @p2 s2;
	p2 =	sne.s32 s12, s9  }
.Ltmp1:
0x1c: {  	p1 =	slt.u32 s12, $0x2;
	(pc) =	sbr.rel @!p2 .LBB2_6-.Ltmp1, $4  }
0x1d: {  	s14 =	simm.s32 @!p1 $0x3  }
0x1e: {  	s16 =	sadd.s32 $0x1, s12;
	_ =	swait.ge @!p1 [sflag:s14], $0x200  }
0x1f: {  	s13 =	smov.u32 s11;
	p0 =	por !p0, !p0;
	[sflag:s14] =	ssyncset.done @!p1 $0x0  }
0x20: {  	s12 =	smov.u32 s16;
	s11 =	smov.u32 s15;
	[sflag:s14] =	ssyncadd.s32 @!p1 $0xFFFFFE00  }
.LBB2_1:
0x21: {  	p1 =	sge.u32 s12, s8  }
0x22: {  	s14 =	sxor.u32 @!p1 $0xFFFFFFFF, s12  }
0x23: {  	s31 =	sadd.s32 $0xFFFFFFFF, s12;
	s15 =	sshrl.u32 @!p1 s11, $0x3;
	s14 =	sshll.u32 @!p1 s14, $0x9  }
0x24: {  	s16 =	sand.u32 @!p1 $0x7, s11;
	s15 =	sadd.s32 @!p1 s4, s15;
	s14 =	sand.u32 @!p1 $0x200, s14  }
0x25: {  	[tilespmem:s14], [sflag:$0x2] =	stream.linear.gather @!p1 [hbm4b:s15+s16], $0x200, $0x38;
	[tilespmem:$0x800] =	vst v63  }
0x26: {  	p1 =	sge.u32 s31, s8  }
.Ltmp2:
0x27: {  	_ = 	snop;
	(pc) =	sbr.rel @p1 .LBB2_5-.Ltmp2, $1  }
0x28: {  	_ =	sdelay $0x3  }
0x29: {  	s14 =	simm.s32 $0x1  }
0x2a: {  	_ =	swait.ge [sflag:s7], $0x200;
	s14 =	simm.s32 @!p0 $0x0  }
0x2b: {  	[sflag:s7] =	ssyncset.done $0x0;
	s14 =	sshll.u32 s14, $0x9  }
0x2c: {  	[sflag:s7] =	ssyncadd.s32 $0xFFFFFE00;
	(ifvalue) =	ssetifvalue $0x7FFFFFFF;
	v0 =	vld.msk [tilespmem:s14+$0x0 ss:$0x1], $0xffff;
	_ =	sdelay $0x4  }
0x2d: {  	s15 =	sadd.s32 $0x10, s14;
	vm1 =	vgt.s32 v0, $0x0  }
0x2e: {  	v2 =	vld.msk [tilespmem:s15+$0x0 ss:$0x1], $0xffff;
	v1 =	vnsel vm1, $0x0, v0  }
0x2f: {  	v1 =	vmin.u32 v1, $0x7FFFFF;
	_ =	sdelay $0x1  }
0x30: {  	s16 =	sshll.u32 s12, $0x9;
	s18 =	simm.s32 $0x20  }
0x31: {  	s16 =	sand.u32 $0x200, s16;
	s17 =	sadd.s32 $0x10, s15;
	s15 =	sor.u32 $0x400, s14  }
0x32: {  	s14 =	sor.u32 $0x400, s16;
	s16 =	sadd.s32 $0x10, s15;
	v0 =	vld.msk [tilespmem:s17+$0x0 ss:$0x1], $0xffff;
	vm1 =	vgt.s32 v2, $0x0;
	(ifvalue) =	ssetifvalue $0x7FFFFFFF  }
.LBB2_3:
0x33: {  	[tilespmem:s15], [sflag:$0x1] =	stream.indirect_vreg.gather [hbm4b:s3+s10], $0x1, v1, vm0, $0x4038;
	[tilespmem:$0x800] =	vst v63  }
0x34: {  	s18 =	sadd.s32 $0x10, s18  }
0x35: {  	v2 =	vnsel vm1, $0x0, v2;
	p1 =	slt.u32 s18, $0x1F0  }
.Ltmp3:
0x36: {  	s15 =	smov.u32 s16;
	v1 =	vmin.u32 v2, $0x7FFFFF;
	(pc) =	sbr.rel @p1 .LBB2_3-.Ltmp3, $3  }
0x37: {  	_ =	sdelay $0x1  }
0x38: {  	s17 =	sadd.s32 $0x10, s17  }
0x39: {  	vm1 =	vgt.s32 v0, $0x0;
	s16 =	sadd.s32 $0x10, s16;
	v2 =	vmov v0;
	(ifvalue) =	ssetifvalue $0x7FFFFFFF;
	v0 =	vld.msk [tilespmem:s17+$0x0 ss:$0x1], $0xffff  }
.Ltmp4:
0x3a: {  	_ = 	snop;
	(pc) =	sbr.rel .LBB2_4-.Ltmp4, $1  }
0x3b: {  	_ =	sdelay $0x3  }
.LBB2_6:
0x3c: {  	_ =	sfence.sel $0x180000  }
0x3d: {  	s2 =	simm.s32 $0x2;
	[bflag:$0x0] =	sbarrier.arrive $0xFFFF  }
0x3e: {  	s30 =	simm.s32 $0x3;
	[sflag:s2] =	ssyncpa.u1 $0x1  }
0x3f: {  	s31 =	simm.s32 $0x1;
	[sflag:s30] =	ssyncpa.u1 $0x1  }
0x40: {  	[sflag:s31] =	ssyncpa.u1 $0x1  }
0x41: {  	p0 =	sne.s32 s1, $0x0;
	_ =	strace $0x9000004A  }
0x42: {  	s0 =	sadd.s32 @!p0 $0x100000, s0;
	[bflag:$0x2] =	sbarrier.arrive $0xFFFF  }
0x43: {  	[sflag:s0] =	ssyncadd.tile.s32 @!p0 $0x1;
	_ =	shalt  }
.Lfunc_end2:
_tile_overlayer_lowered:
.L_overlay_start_2:
0x44: {  	(tag) =	ssettag $0x2  }
0x45: {  	s0 =	rddreg [dreg:$0x0];
	s2 =	stileid.u32  }
0x46: {  	s1 =	rddreg [dreg:$0x1];
	p0 =	sne.s32 s2, $0x0  }
0x47: {  	s3 =	rddreg [dreg:$0x2];
	[bflag:$0x3] =	sbarrier.arrive $0xFFFF;
	s2 =	simm.s32 @!p0 $0x1C01  }
0x48: {  	[timem:s3], [sflag:s2] =	dma.local @!p0 [hbm:s0], s1  }
0x49: {  	s0 =	simm.s32 @!p0 $0x1  }
0x4a: {  	_ =	swait.ge @!p0 [sflag:s0], s1  }
0x4b: {  	s1 =	ssub.s32 @!p0 $0x0, s1;
	[sflag:s0] =	ssyncset.done @!p0 $0x0  }
0x4c: {  	[sflag:s0] =	ssyncadd.s32 @!p0 s1  }
0x4d: {  	[bflag:$0x3] =	sbarrier.arrive $0xFFFF  }
0x4e: {  	_ =	shalt  }

// kernel: kernel.9.cloned.1.call-start
scs
__scs_entry_jumppad:
0x0: {  	(pc) =	sbr.rel $0x88, $3  }
0x1: {  	(tag) =	ssettag $0x0;
	lr =	simm.s32 $0x1  }
0x2: {  	[smem:$0x3F94] =	sst lr;
	_ =	strace $0xD0000000  }
0x3: {  	_ = 	snop  }
0x4: {  	_ = 	snop  }
0x5: {  	_ = 	snop  }
0x6: {  	_ = 	snop  }
0x7: {  	_ = 	snop  }
__scs_overlays_trampoline_lowered:
0x8: {  	[smem:$0x3FA3] =	sst s0  }
0x9: {  	[smem:$0x3FA4] =	sst s1  }
0xa: {  	[smem:$0x3FA5] =	sst s2  }
0xb: {  	[smem:$0x3FA6] =	sst s3  }
0xc: {  	[smem:$0x3FA7] =	sst s4  }
0xd: {  	[smem:$0x3FA8] =	sst s5  }
0xe: {  	[smem:$0x3FA9] =	sst s6  }
0xf: {  	[smem:$0x3FAA] =	sst s7  }
0x10: {  	[smem:$0x3FAB] =	sst s8  }
0x11: {  	[smem:$0x3FAC] =	sst s9;
	s0 =	simm.s32 @!p0 $0x0  }
0x12: {  	s1 =	sld [smem:$0x3F92];
	s0 =	simm.s32 @p0 $0x1  }
0x13: {  	[smem:$0x3FAD] =	sst s0;
	s0 =	simm.s32 @!p1 $0x0  }
0x14: {  	s2 =	sld [smem:$0x3F91];
	s0 =	simm.s32 @p1 $0x1  }
0x15: {  	[smem:$0x3FAE] =	sst s0;
	s0 =	simm.s32 @!p2 $0x0  }
0x16: {  	s3 =	sld [smem:$0x3FDB];
	s0 =	simm.s32 @p2 $0x1  }
0x17: {  	s4 =	simm.s32 $0x1BF5;
	[smem:$0x3FB0] =	sst s0  }
0x18: {  	s0 =	sld [smem:$0x3F93];
	_ =	swait.ge [sflag:s4], $0x0  }
0x19: {  	s7 =	sld [smem:$0x3F94]  }
0x1a: {  	s8 =	sadd.s32 $0xFFFFE003, lr  }
0x1b: {  	s9 =	sadd.s32 $0xFFFFFEF7, lr;
	s5 =	simm.s32 $0xFFFFFFFF;
	p2 =	slt.u32 s8, $0xFFFFF086  }
0x1c: {  	p1 =	slt.u32 s9, $0xF7A;
	s5 =	simm.s32 @!p2 $0x0  }
0x1d: {  	s5 =	simm.s32 @p1 $0x1;
	p0 =	seq.s32 s7, s2  }
0x1e: {  	s7 =	smul.u32 @!p0 $0xF7A, s2;
	p2 =	seq.s32 @!p0 s5, $0x0  }
0x1f: {  	s9 =	smul.u32 $0xF7A, s1;
	s8 =	simm.s32 @!p0 $0x1BF5;
	p2 =	por !p2, p0  }
0x20: {  	[sflag:s8] =	ssyncset.s32 @!p0 $0xFFFFF086;
	s6 =	sadd.s32 @!p0 s3, s7;
	s7 =	simm.s32 @!p0 $0x108  }
0x21: {  	s3 =	sadd.s32 s3, s9;
	s6 =	sadd.s32 @!p0 $0x88, s6;
	s7 =	simm.s32 @p2 $0x1082  }
0x22: {  	[simem:s7], [sflag:s8] =	dma.local @!p0 [hbm:s6], $0xF7A  }
0x23: {  	s9 =	sor.u32 $0xD0000000, s2;
	s6 =	simm.s32 $0x108;
	_ =	swait.ge @!p0 [sflag:s8], $0x0  }
0x24: {  	s3 =	sadd.s32 $0x88, s3;
	s6 =	simm.s32 @!p1 $0x1082;
	[sflag:s4] =	ssyncset.s32 $0xFFFFF086  }
0x25: {  	[simem:s6], [sflag:s4] =	dma.local [hbm:s3], $0xF7A  }
0x26: {  	[smem:$0x3F94] =	sst s1;
	(tag) =	ssettag s2;
	_ =	strace s9  }
0x27: {  	s1 =	sld [smem:$0x3FA4]  }
0x28: {  	s2 =	sld [smem:$0x3FA5]  }
0x29: {  	s4 =	sld [smem:$0x3FA7]  }
0x2a: {  	p0 =	seq.s32 s5, $0x0;
	s5 =	sld [smem:$0x3FA8]  }
0x2b: {  	s6 =	sld [smem:$0x3FA9]  }
0x2c: {  	s7 =	sld [smem:$0x3FAA]  }
0x2d: {  	s3 =	simm.s32 $0x108;
	s8 =	sld [smem:$0x3FAB]  }
0x2e: {  	s3 =	simm.s32 @!p0 $0x1082;
	s9 =	sld [smem:$0x3FAC]  }
0x2f: {  	lr =	sadd.s32 s0, s3;
	s0 =	sld [smem:$0x3FA3]  }
0x30: {  	s3 =	sld [smem:$0x3FA6]  }
0x31: {  	[smem:$0x3FAF] =	sst s10  }
0x32: {  	s10 =	sld [smem:$0x3FAD];
	_ =	sdelay $0x3  }
0x33: {  	p0 =	seq.s32 s10, $0x1;
	s10 =	sld [smem:$0x3FAF];
	_ =	sdelay $0x3  }
0x34: {  	[smem:$0x3FAF] =	sst s10  }
0x35: {  	s10 =	sld [smem:$0x3FAE];
	_ =	sdelay $0x3  }
0x36: {  	p1 =	seq.s32 s10, $0x1;
	s10 =	sld [smem:$0x3FAF];
	_ =	sdelay $0x3  }
0x37: {  	[smem:$0x3FAF] =	sst s10  }
0x38: {  	s10 =	sld [smem:$0x3FB0]  }
0x39: {  	_ = 	snop;
	(pc) =	sbr.ind lr, $3  }
0x3a: {  	_ = 	snop  }
0x3b: {  	_ = 	snop  }
0x3c: {  	p2 =	seq.s32 s10, $0x1;
	s10 =	sld [smem:$0x3FAF]  }
0x3d: {  	_ =	shalt  }
0x3e: {  	_ =	shalt  }
0x3f: {  	_ =	shalt  }
0x40: {  	_ =	shalt  }
0x41: {  	_ =	shalt  }
0x42: {  	_ =	shalt  }
0x43: {  	_ =	shalt  }
0x44: {  	_ =	shalt  }
0x45: {  	_ =	shalt  }
0x46: {  	_ =	shalt  }
0x47: {  	_ =	shalt  }
0x48: {  	_ =	shalt  }
0x49: {  	_ =	shalt  }
0x4a: {  	_ =	shalt  }
0x4b: {  	_ =	shalt  }
0x4c: {  	_ =	shalt  }
0x4d: {  	_ =	shalt  }
0x4e: {  	_ =	shalt  }
0x4f: {  	_ =	shalt  }
0x50: {  	_ =	shalt  }
0x51: {  	_ =	shalt  }
0x52: {  	_ =	shalt  }
0x53: {  	_ =	shalt  }
0x54: {  	_ =	shalt  }
0x55: {  	_ =	shalt  }
0x56: {  	_ =	shalt  }
0x57: {  	_ =	shalt  }
0x58: {  	_ =	shalt  }
0x59: {  	_ =	shalt  }
0x5a: {  	_ =	shalt  }
0x5b: {  	_ =	shalt  }
0x5c: {  	_ =	shalt  }
0x5d: {  	_ =	shalt  }
0x5e: {  	_ =	shalt  }
0x5f: {  	_ =	shalt  }
0x60: {  	_ =	shalt  }
0x61: {  	_ =	shalt  }
0x62: {  	_ =	shalt  }
0x63: {  	_ =	shalt  }
0x64: {  	_ =	shalt  }
0x65: {  	_ =	shalt  }
0x66: {  	_ =	shalt  }
0x67: {  	_ =	shalt  }
0x68: {  	_ =	shalt  }
0x69: {  	_ =	shalt  }
0x6a: {  	_ =	shalt  }
0x6b: {  	_ =	shalt  }
0x6c: {  	_ =	shalt  }
0x6d: {  	_ =	shalt  }
0x6e: {  	_ =	shalt  }
0x6f: {  	_ =	shalt  }
0x70: {  	_ =	shalt  }
0x71: {  	_ =	shalt  }
0x72: {  	_ =	shalt  }
0x73: {  	_ =	shalt  }
0x74: {  	_ =	shalt  }
0x75: {  	_ =	shalt  }
0x76: {  	_ =	shalt  }
0x77: {  	_ =	shalt  }
0x78: {  	_ =	shalt  }
0x79: {  	_ =	shalt  }
0x7a: {  	_ =	shalt  }
0x7b: {  	_ =	shalt  }
0x7c: {  	_ =	shalt  }
0x7d: {  	_ =	shalt  }
0x7e: {  	_ =	shalt  }
0x7f: {  	_ =	shalt  }
0x80: {  	_ =	shalt  }
0x81: {  	_ =	shalt  }
0x82: {  	_ =	shalt  }
0x83: {  	_ =	shalt  }
0x84: {  	_ =	shalt  }
0x85: {  	_ =	shalt  }
0x86: {  	_ =	shalt  }
0x87: {  	_ =	shalt  }
.Lfunc_end0:
.L_simem_size_0:
called_computation.3_lowered:
.L_overlay_start_0:
0x88: {  	s2 =	sld [smem:$0x3FD9]  }
0x89: {  	s3 =	sld [smem:$0x3FFE];
	_ =	sdelay $0x1  }
0x8a: {  	s1 =	srdreg.scid  }
0x8b: {  	s0 =	sand.u32 $0x1, s1  }
0x8c: {  	s17 =	sshll.u32 s0, $0xA;
	s2 =	sadd.s32 s3, s2  }
0x8d: {  	s2 =	sadd.s32 s2, s17  }
0x8e: {  	[smem:$0x3FBB] =	sst s2  }
0x8f: {  	_ = 	snop  }
0x90: {  	(tm) =	ssettm $0x1  }
0x91: {  	s18 =	sld [smem:$0x3FFB];
	_ =	sdelay $0x3  }
0x92: {  	_ =	strace s18  }
0x93: {  	s2 =	sld [smem:$0x3FFC];
	_ =	sdelay $0x3  }
0x94: {  	_ =	strace s2  }
0x95: {  	s2 =	sld [smem:$0x3FFD];
	_ =	sdelay $0x3  }
0x96: {  	_ =	strace s2  }
0x97: {  	_ =	strace $0x8FFFFFFF  }
0x98: {  	s19 =	sld [smem:$0x3FDB];
	_ =	sdelay $0x1  }
0x99: {  	s20 =	simm.s32 $_scs_section_size  }
0x9a: {  	s4 =	simm.s32 $_size__tile_overlayer_lowered;
	s5 =	simm.s32 $_tile_overlayer_lowered  }
0x9b: {  	s6 =	simm.s32 $0x1BFF;
	s21 =	sshll.u32 s5, $0x1;
	s3 =	sadd.s32 s20, s19  }
0x9c: {  	s22 =	simm.s32 $0x0;
	s4 =	sshll.u32 s4, $0x1;
	s5 =	sadd.s32 s21, s3  }
0x9d: {  	[timem:s22], [sflag:s6] =	dma.local [hbm:s5], s4  }
0x9e: {  	_ =	swait.ge [sflag:s6], s4  }
0x9f: {  	s4 =	ssub.s32 $0x0, s4;
	[sflag:s6] =	ssyncset.done $0x0  }
0xa0: {  	[sflag:s6] =	ssyncadd.s32 s4;
	_ =	sdelay $0x1  }
0xa1: {  	s23 =	simm.s32 $0x1B8B  }
0xa2: {  	_ =	swait.ge [sflag:s23], $0x1  }
0xa3: {  	[sflag:s23] =	ssyncset.done $0x0  }
0xa4: {  	[sflag:s23] =	ssyncadd.s32 $0xFFFFFFFF  }
0xa5: {  	s4 =	sld [smem:$0x0]  }
0xa6: {  	s5 =	sand.u32 $0xFFFFFFFE, s1  }
0xa7: {  	p0 =	sne.s32 s1, s5  }
0xa8: {  	s5 =	sshll.u32 @p0 s5, $0xE  }
0xa9: {  	s5 =	sadd.s32 @p0 $0x11B8D, s5;
	s6 =	sshll.u32 @p0 s4, $0x11  }
0xaa: {  	s5 =	sor.u32 @p0 s6, s5  }
0xab: {  	[sflag:s5] =	ssyncadd.remote.s32 @p0 $0x1;
	_ =	sdelay $0x1  }
0xac: {  	s5 =	simm.s32 @p0 $0x1B8D  }
0xad: {  	_ =	swait.eq @p0 [sflag:s5], $0x1  }
0xae: {  	[sflag:s5] =	ssyncadd.s32 @p0 $0xFFFFFFFF  }
0xaf: {  	s6 =	sshll.u32 @!p0 s1, $0xE  }
0xb0: {  	s6 =	sor.u32 @!p0 $0x4000, s6;
	s5 =	simm.s32 @!p0 $0x1B8D  }
0xb1: {  	s4 =	sshll.u32 @!p0 s4, $0x11;
	s6 =	sadd.s32 @!p0 $0x11B8D, s6;
	_ =	swait.eq @!p0 [sflag:s5], $0x1  }
0xb2: {  	s4 =	sor.u32 @!p0 s4, s6;
	[sflag:s5] =	ssyncadd.s32 @!p0 $0xFFFFFFFF  }
0xb3: {  	s25 =	simm.s32 $0x1B8E;
	s24 =	sld [smem:$0x3FFE];
	[sflag:s4] =	ssyncadd.remote.s32 @!p0 $0x1  }
0xb4: {  	s26 =	simm.s32 $execute0_lowered;
	[smem:$0x3FD2] =	sst s25  }
0xb5: {  	s5 =	sshll.u32 s26, $0x1;
	_ =	strace $0x8000004F;
	[dreg:$0x1] =	wrdreg $0xFFFFFFFF  }
0xb6: {  	s28 =	simm.s32 $_size_execute0_lowered;
	s3 =	sadd.s32 s3, s5;
	[dreg:$0x0] =	wrdreg $0x0  }
0xb7: {  	s5 =	sshll.u32 s28, $0x1;
	[dreg:$0x2] =	wrdreg s3  }
0xb8: {  	[dreg:$0x3] =	wrdreg s5  }
0xb9: {  	[dreg:$0x4] =	wrdreg $0xC0  }
0xba: {  	_ =	task [dreg:s22], $0x5FFFF  }
0xbb: {  	[dreg:$0x1] =	wrdreg $0xFFFFFFFF  }
0xbc: {  	[dreg:$0x0] =	wrdreg $0x60  }
0xbd: {  	[dreg:$0x2] =	wrdreg s24  }
0xbe: {  	[dreg:$0x3] =	wrdreg $0xB  }
0xbf: {  	_ =	task.clear_ibuf [dreg:s22], $0x4FFFF;
	_ =	strace $0x9000004F  }
0xc0: {  	s29 =	simm.s32 $0xB;
	_ =	strace $0x80000051  }
0xc1: {  	_ =	swait.ge [sflag:s29], $0x1  }
0xc2: {  	[sflag:s29] =	ssyncadd.s32 $0xFFFFFFFF  }
0xc3: {  	_ =	strace $0x90000051  }
0xc4: {  	_ =	sfence  }
0xc5: {  	s30 =	sld [smem:$0x0];
	_ =	sdelay $0x2  }
0xc6: {  	s31 =	sshll.u32 s1, $0xD;
	s1 =	sshrl.u32 s1, $0x2  }
0xc7: {  	s4 =	sand.u32 $0x4000, s31;
	s1 =	sadd.s32 s1, s30  }
0xc8: {  	s0 =	sor.u32 s4, s0;
	s1 =	sshll.u32 s1, $0x11  }
0xc9: {  	s0 =	sor.u32 s1, s0  }
0xca: {  	s0 =	sadd.s32 $0x8F2B, s0  }
0xcb: {  	[sflag:s0] =	ssyncadd.remote.s32 $0x1  }
0xcc: {  	_ =	sfence.sel $0xFFFF  }
0xcd: {  	[dreg:$0x0] =	wrdreg $0xFFFFFFFF;
	(pc) =	sbr.abs _section_cstart, $3  }
0xce: {  	[dreg:$0x1] =	wrdreg $0xFFFFFFFF  }
0xcf: {  	_ =	task.clear_ibuf [dreg:s22], $0x2FFFF;
	_ =	strace $0x9FFFFFFF  }
0xd0: {  	(tm) =	ssettm $0x7FFFFFFF  }
0xd1: {  	_ =	shalt  }
tec
execute0_lowered:
.L_overlay_start_1:
0x0: {  	(tag) =	ssettag $0x1  }
0x1: {  	s1 =	srdreg.scid  }
0x2: {  	s0 =	stileid.u32;
	s3 =	rddreg [dreg:$0x0]  }
0x3: {  	s2 =	simm.s32 $0x0;
	s14 =	simm.s32 $0x1;
	s15 =	simm.s32 $0x10000  }
0x4: {  	s16 =	simm.s32 $0x10480;
	s6 =	sand.u32 $0x1, s1;
	s1 =	rddreg [dreg:$0x1]  }
0x5: {  	s17 =	simm.s32 $0x0;
	s4 =	sshll.u32 s0, $0x1;
	[smem:$0x7FF] =	sst s2  }
0x6: {  	s31 =	sshll.u32 s0, $0x13;
	s4 =	sor.u32 s6, s4;
	_ =	strace $0x80000050  }
0x7: {  	s8 =	ssub.s32 $0x2, s6;
	s12 =	sshll.u32 s6, $0x12;
	s5 =	sshll.u32 s4, $0xF  }
0x8: {  	s29 =	sshll.u32 s4, $0x7;
	s4 =	sshll.u32 s4, $0x1;
	s30 =	sshrl.u32 s8, $0x1  }
0x9: {  	s7 =	sadd.s32 s5, s3;
	s9 =	sadd.s32 s29, s3;
	s10 =	sadd.s32 s4, s3  }
0xa: {  	s11 =	ssub.s32 s8, s30;
	s8 =	sor.u32 s12, s31;
	s3 =	sadd.s32 $0x147000, s7  }
0xb: {  	s4 =	sadd.s32 $0x149000, s7;
	s5 =	sadd.s32 $0x14B000, s7;
	s6 =	sadd.s32 $0x14D000, s7  }
0xc: {  	s7 =	sadd.s32 $0x48A00, s9;
	s9 =	sadd.s32 $0x48800, s10;
	s10 =	smax.u32 s11, $0x1  }
0xd: {  	v0 =	vlaneseq.u32;
	v1 =	vimm.s32 $0x0;
	s11 =	sor.u32 $0x10000, s8;
	s12 =	sor.u32 $0x20000, s8;
	s13 =	sor.u32 $0x30000, s8  }
.LBB2_1:
0xe: {  	v2 =	vor.u32 s2, v0  }
0xf: {  	[tilespmem:s2], [sflag:$0x1] =	stream.linear.gather [hbm4b:s3+s2], $0x10000, $0x38;
	[tilespmem:$0x10500] =	vst v63  }
0x10: {  	_ =	swait.ge [sflag:s14], $0x10000  }
0x11: {  	[sflag:s14] =	ssyncset.done $0x0  }
0x12: {  	[sflag:s14] =	ssyncadd.s32 $0xFFFF0000  }
0x13: {  	v2 =	vld.idx.msk [tilespmem:v2+s2+$0x0], $0xffff;
	_ =	sdelay $0x4  }
0x14: {  	vm0 =	vne.s32 v2, $0x0  }
0x15: {  	v2 =	vsel vm0, $0x1, v1  }
0x16: {  	(xrf0) =	vadd.scan.msk.s32 $0xffff, v2;
	_ =	sdelay $0x5  }
0x17: {  	v2, _, _ =	vpop (xrf0)  }
0x18: {  	v3 =	vxor.u32 $0x80000000, v2  }
0x19: {  	(xrf0) =	vmax.scan.msk.u32 $0xffff, v3;
	v3 =	vmov s2  }
0x1a: {  	v3 =	vadd.s32 $0xFFFFFFFF, v3  }
0x1b: {  	v3 =	vbroadcast v3, $0x0;
	_ =	sdelay $0x1  }
0x1c: {  	v2 =	vadd.s32 v2, v3  }
0x1d: {  	s18 =	simm.s32 $0x10  }
0x1e: {  	s20 =	simm.s32 $0x20;
	s21 =	simm.s32 $0x0;
	s19 =	simm.s32 $0x0;
	v3 =	vor.u32 s18, v0;
	v4, _, _ =	vpop (xrf0)  }
.LBB2_2:
0x1f: {  	p0 =	sne.s32 s20, $0xFFF0;
	s22 =	sadd.s32 s21, s8;
	(v2sf) =	vpush v4, $0xF;
	s21 =	smov.u32 s18  }
0x20: {  	s18 =	smov.u32 s20;
	v4 =	vor.u32 s22, v0  }
0x21: {  	[tilespmem:v2+s15+$0x0] =	vst.idx.msk vm0, v4;
	_ =	sdelay $0x1  }
0x22: {  	v2 =	vld.idx.msk [tilespmem:v3+s2+$0x0], $0xffff;
	_ =	sdelay $0x5  }
0x23: {  	vm0 =	vne.s32 v2, $0x0  }
0x24: {  	v2 =	vsel vm0, $0x1, v1  }
0x25: {  	(xrf0) =	vadd.scan.msk.s32 $0xffff, v2;
	_ =	sdelay $0x2  }
0x26: {  	s22 =	spop (v2sf)  }
0x27: {  	s19 =	sadd.s32 s22, s19  }
0x28: {  	s19 =	sadd.s32 $0x80000000, s19  }
0x29: {  	v2, _, _ =	vpop (xrf0);
	p1 =	slt.s32 s19, $0x400  }
0x2a: {  	v3 =	vxor.u32 $0x80000000, v2;
	s19 =	simm.s32 @!p1 $0x400  }
0x2b: {  	v4 =	vmov s19;
	(xrf0) =	vmax.scan.msk.u32 $0xffff, v3  }
0x2c: {  	v3 =	vadd.s32 $0xFFFFFFFF, v4  }
.Ltmp0:
0x2d: {  	v3 =	vbroadcast v3, $0x0;
	(pc) =	sbr.rel @p0 .LBB2_2-.Ltmp0, $3  }
0x2e: {  	_ = 	snop  }
0x2f: {  	v2 =	vadd.s32 v2, v3;
	_ =	sdelay $0x1  }
0x30: {  	s20 =	sadd.s32 $0x10, s20;
	v3 =	vor.u32 s18, v0;
	v4, _, _ =	vpop (xrf0)  }
0x31: {  	_ =	sdelay $0x2  }
0x32: {  	s20 =	sadd.s32 s21, s8  }
0x33: {  	v5 =	vor.u32 s20, v0  }
0x34: {  	[tilespmem:v2+s15+$0x0] =	vst.idx.msk vm0, v5  }
0x35: {  	v2 =	vld.idx.msk [tilespmem:v3+s2+$0x0], $0xffff;
	_ =	sdelay $0x4  }
0x36: {  	vm0 =	vne.s32 v2, $0x0  }
0x37: {  	(v2sf) =	vpush v4, $0xF;
	v2 =	vsel vm0, $0x1, v1  }
0x38: {  	(xrf0) =	vadd.scan.msk.s32 $0xffff, v2;
	_ =	sdelay $0x5  }
0x39: {  	v2, _, _ =	vpop (xrf0)  }
0x3a: {  	v3 =	vxor.u32 $0x80000000, v2  }
0x3b: {  	(xrf0) =	vmax.scan.msk.u32 $0xffff, v3;
	_ =	sdelay $0x5  }
0x3c: {  	s30 =	spop (v2sf);
	v3, _, _ =	vpop (xrf0)  }
0x3d: {  	s19 =	sadd.s32 s30, s19;
	(v2sf) =	vpush v3, $0xF  }
0x3e: {  	s19 =	sadd.s32 $0x80000000, s19  }
0x3f: {  	p0 =	slt.s32 s19, $0x400  }
0x40: {  	s19 =	simm.s32 @!p0 $0x400  }
0x41: {  	v3 =	vmov s19  }
0x42: {  	v3 =	vadd.s32 $0xFFFFFFFF, v3  }
0x43: {  	v3 =	vbroadcast v3, $0x0;
	_ =	sdelay $0x1  }
0x44: {  	v2 =	vadd.s32 v2, v3;
	_ =	sdelay $0x2  }
0x45: {  	s18 =	sadd.s32 s18, s8  }
0x46: {  	v3 =	vor.u32 s18, v0  }
0x47: {  	s18 =	simm.s32 $0x0;
	[tilespmem:v2+s15+$0x0] =	vst.idx.msk vm0, v3  }
0x48: {  	v2 =	vor.u32 s18, v0;
	[tilespmem:s18], [sflag:$0x1] =	stream.linear.gather [hbm4b:s4+s18], $0x10000, $0x38;
	[tilespmem:$0x10500] =	vst v63  }
0x49: {  	s31 =	spop (v2sf)  }
0x4a: {  	_ =	swait.ge [sflag:s14], $0x10000  }
0x4b: {  	[sflag:s14] =	ssyncset.done $0x0  }
0x4c: {  	[sflag:s14] =	ssyncadd.s32 $0xFFFF0000  }
0x4d: {  	v2 =	vld.idx.msk [tilespmem:v2+s2+$0x0], $0xffff;
	_ =	sdelay $0x4  }
0x4e: {  	vm0 =	vne.s32 v2, $0x0  }
0x4f: {  	v2 =	vsel vm0, $0x1, v1  }
0x50: {  	(xrf0) =	vadd.scan.msk.s32 $0xffff, v2;
	_ =	sdelay $0x3  }
0x51: {  	s19 =	sadd.s32 s31, s19  }
0x52: {  	s19 =	sadd.s32 $0x80000000, s19  }
0x53: {  	p0 =	slt.s32 s19, $0x400;
	v2, _, _ =	vpop (xrf0)  }
0x54: {  	s19 =	simm.s32 @!p0 $0x400;
	v3 =	vxor.u32 $0x80000000, v2  }
0x55: {  	(xrf0) =	vmax.scan.msk.u32 $0xffff, v3;
	v3 =	vmov s19  }
0x56: {  	v3 =	vadd.s32 $0xFFFFFFFF, v3  }
0x57: {  	v3 =	vbroadcast v3, $0x0;
	_ =	sdelay $0x1  }
0x58: {  	v2 =	vadd.s32 v2, v3  }
0x59: {  	s20 =	simm.s32 $0x10  }
0x5a: {  	s21 =	simm.s32 $0x20;
	v3 =	vor.u32 s20, v0;
	v4, _, _ =	vpop (xrf0)  }
.LBB2_4:
0x5b: {  	p0 =	sne.s32 s21, $0xFFF0;
	s22 =	sadd.s32 s18, s11;
	(v2sf) =	vpush v4, $0xF;
	s18 =	smov.u32 s20  }
0x5c: {  	s20 =	smov.u32 s21;
	v4 =	vor.u32 s22, v0  }
0x5d: {  	[tilespmem:v2+s15+$0x0] =	vst.idx.msk vm0, v4;
	_ =	sdelay $0x1  }
0x5e: {  	v2 =	vld.idx.msk [tilespmem:v3+s2+$0x0], $0xffff;
	_ =	sdelay $0x5  }
0x5f: {  	vm0 =	vne.s32 v2, $0x0  }
0x60: {  	v2 =	vsel vm0, $0x1, v1  }
0x61: {  	(xrf0) =	vadd.scan.msk.s32 $0xffff, v2;
	_ =	sdelay $0x2  }
0x62: {  	s22 =	spop (v2sf)  }
0x63: {  	s19 =	sadd.s32 s22, s19  }
0x64: {  	s19 =	sadd.s32 $0x80000000, s19  }
0x65: {  	v2, _, _ =	vpop (xrf0);
	p1 =	slt.s32 s19, $0x400  }
0x66: {  	v3 =	vxor.u32 $0x80000000, v2;
	s19 =	simm.s32 @!p1 $0x400  }
0x67: {  	v4 =	vmov s19;
	(xrf0) =	vmax.scan.msk.u32 $0xffff, v3  }
0x68: {  	v3 =	vadd.s32 $0xFFFFFFFF, v4  }
.Ltmp1:
0x69: {  	v3 =	vbroadcast v3, $0x0;
	(pc) =	sbr.rel @p0 .LBB2_4-.Ltmp1, $3  }
0x6a: {  	_ = 	snop  }
0x6b: {  	v2 =	vadd.s32 v2, v3;
	_ =	sdelay $0x1  }
0x6c: {  	s21 =	sadd.s32 $0x10, s21;
	v3 =	vor.u32 s20, v0;
	v4, _, _ =	vpop (xrf0)  }
0x6d: {  	_ =	sdelay $0x2  }
0x6e: {  	s18 =	sadd.s32 s18, s11  }
0x6f: {  	v5 =	vor.u32 s18, v0  }
0x70: {  	[tilespmem:v2+s15+$0x0] =	vst.idx.msk vm0, v5  }
0x71: {  	v2 =	vld.idx.msk [tilespmem:v3+s2+$0x0], $0xffff;
	_ =	sdelay $0x4  }
0x72: {  	vm0 =	vne.s32 v2, $0x0  }
0x73: {  	(v2sf) =	vpush v4, $0xF;
	v2 =	vsel vm0, $0x1, v1  }
0x74: {  	(xrf0) =	vadd.scan.msk.s32 $0xffff, v2;
	_ =	sdelay $0x5  }
0x75: {  	v2, _, _ =	vpop (xrf0)  }
0x76: {  	v3 =	vxor.u32 $0x80000000, v2  }
0x77: {  	(xrf0) =	vmax.scan.msk.u32 $0xffff, v3;
	_ =	sdelay $0x5  }
0x78: {  	s29 =	spop (v2sf);
	v3, _, _ =	vpop (xrf0)  }
0x79: {  	s18 =	sadd.s32 s29, s19;
	(v2sf) =	vpush v3, $0xF  }
0x7a: {  	s19 =	sadd.s32 $0x80000000, s18  }
0x7b: {  	p0 =	slt.s32 s19, $0x400  }
0x7c: {  	s19 =	simm.s32 @!p0 $0x400  }
0x7d: {  	v3 =	vmov s19  }
0x7e: {  	v3 =	vadd.s32 $0xFFFFFFFF, v3  }
0x7f: {  	v3 =	vbroadcast v3, $0x0;
	_ =	sdelay $0x1  }
0x80: {  	v2 =	vadd.s32 v2, v3;
	_ =	sdelay $0x2  }
0x81: {  	s30 =	sadd.s32 s20, s11  }
0x82: {  	v3 =	vor.u32 s30, v0  }
0x83: {  	s18 =	simm.s32 $0x0;
	[tilespmem:v2+s15+$0x0] =	vst.idx.msk vm0, v3  }
0x84: {  	v2 =	vor.u32 s18, v0;
	[tilespmem:s18], [sflag:$0x1] =	stream.linear.gather [hbm4b:s5+s18], $0x10000, $0x38;
	[tilespmem:$0x10500] =	vst v63  }
0x85: {  	s31 =	spop (v2sf)  }
0x86: {  	_ =	swait.ge [sflag:s14], $0x10000  }
0x87: {  	[sflag:s14] =	ssyncset.done $0x0  }
0x88: {  	[sflag:s14] =	ssyncadd.s32 $0xFFFF0000  }
0x89: {  	v2 =	vld.idx.msk [tilespmem:v2+s2+$0x0], $0xffff;
	_ =	sdelay $0x4  }
0x8a: {  	vm0 =	vne.s32 v2, $0x0  }
0x8b: {  	v2 =	vsel vm0, $0x1, v1  }
0x8c: {  	(xrf0) =	vadd.scan.msk.s32 $0xffff, v2;
	_ =	sdelay $0x3  }
0x8d: {  	s19 =	sadd.s32 s31, s19  }
0x8e: {  	s19 =	sadd.s32 $0x80000000, s19  }
0x8f: {  	p0 =	slt.s32 s19, $0x400;
	v2, _, _ =	vpop (xrf0)  }
0x90: {  	s19 =	simm.s32 @!p0 $0x400;
	v3 =	vxor.u32 $0x80000000, v2  }
0x91: {  	(xrf0) =	vmax.scan.msk.u32 $0xffff, v3;
	v3 =	vmov s19  }
0x92: {  	v3 =	vadd.s32 $0xFFFFFFFF, v3  }
0x93: {  	v3 =	vbroadcast v3, $0x0;
	_ =	sdelay $0x1  }
0x94: {  	v2 =	vadd.s32 v2, v3  }
0x95: {  	s20 =	simm.s32 $0x10  }
0x96: {  	s21 =	simm.s32 $0x20;
	v3 =	vor.u32 s20, v0;
	v4, _, _ =	vpop (xrf0)  }
.LBB2_6:
0x97: {  	p0 =	sne.s32 s21, $0xFFF0;
	s22 =	sadd.s32 s18, s12;
	(v2sf) =	vpush v4, $0xF;
	s18 =	smov.u32 s20  }
0x98: {  	s20 =	smov.u32 s21;
	v4 =	vor.u32 s22, v0  }
0x99: {  	[tilespmem:v2+s15+$0x0] =	vst.idx.msk vm0, v4;
	_ =	sdelay $0x1  }
0x9a: {  	v2 =	vld.idx.msk [tilespmem:v3+s2+$0x0], $0xffff;
	_ =	sdelay $0x5  }
0x9b: {  	vm0 =	vne.s32 v2, $0x0  }
0x9c: {  	v2 =	vsel vm0, $0x1, v1  }
0x9d: {  	(xrf0) =	vadd.scan.msk.s32 $0xffff, v2;
	_ =	sdelay $0x2  }
0x9e: {  	s22 =	spop (v2sf)  }
0x9f: {  	s19 =	sadd.s32 s22, s19  }
0xa0: {  	s19 =	sadd.s32 $0x80000000, s19  }
0xa1: {  	v2, _, _ =	vpop (xrf0);
	p1 =	slt.s32 s19, $0x400  }
0xa2: {  	v3 =	vxor.u32 $0x80000000, v2;
	s19 =	simm.s32 @!p1 $0x400  }
0xa3: {  	v4 =	vmov s19;
	(xrf0) =	vmax.scan.msk.u32 $0xffff, v3  }
0xa4: {  	v3 =	vadd.s32 $0xFFFFFFFF, v4  }
.Ltmp2:
0xa5: {  	v3 =	vbroadcast v3, $0x0;
	(pc) =	sbr.rel @p0 .LBB2_6-.Ltmp2, $3  }
0xa6: {  	_ = 	snop  }
0xa7: {  	v2 =	vadd.s32 v2, v3;
	_ =	sdelay $0x1  }
0xa8: {  	s21 =	sadd.s32 $0x10, s21;
	v3 =	vor.u32 s20, v0;
	v4, _, _ =	vpop (xrf0)  }
0xa9: {  	_ =	sdelay $0x2  }
0xaa: {  	s18 =	sadd.s32 s18, s12  }
0xab: {  	v5 =	vor.u32 s18, v0  }
0xac: {  	[tilespmem:v2+s15+$0x0] =	vst.idx.msk vm0, v5  }
0xad: {  	v2 =	vld.idx.msk [tilespmem:v3+s2+$0x0], $0xffff;
	_ =	sdelay $0x4  }
0xae: {  	vm0 =	vne.s32 v2, $0x0  }
0xaf: {  	(v2sf) =	vpush v4, $0xF;
	v2 =	vsel vm0, $0x1, v1  }
0xb0: {  	(xrf0) =	vadd.scan.msk.s32 $0xffff, v2;
	_ =	sdelay $0x5  }
0xb1: {  	v2, _, _ =	vpop (xrf0)  }
0xb2: {  	v3 =	vxor.u32 $0x80000000, v2  }
0xb3: {  	(xrf0) =	vmax.scan.msk.u32 $0xffff, v3;
	_ =	sdelay $0x5  }
0xb4: {  	s29 =	spop (v2sf);
	v3, _, _ =	vpop (xrf0)  }
0xb5: {  	s18 =	sadd.s32 s29, s19;
	(v2sf) =	vpush v3, $0xF  }
0xb6: {  	s19 =	sadd.s32 $0x80000000, s18  }
0xb7: {  	p0 =	slt.s32 s19, $0x400  }
0xb8: {  	s19 =	simm.s32 @!p0 $0x400  }
0xb9: {  	v3 =	vmov s19  }
0xba: {  	v3 =	vadd.s32 $0xFFFFFFFF, v3  }
0xbb: {  	v3 =	vbroadcast v3, $0x0;
	_ =	sdelay $0x1  }
0xbc: {  	v2 =	vadd.s32 v2, v3;
	_ =	sdelay $0x2  }
0xbd: {  	s30 =	sadd.s32 s20, s12  }
0xbe: {  	v3 =	vor.u32 s30, v0  }
0xbf: {  	s18 =	simm.s32 $0x0;
	[tilespmem:v2+s15+$0x0] =	vst.idx.msk vm0, v3  }
0xc0: {  	v2 =	vor.u32 s18, v0;
	[tilespmem:s18], [sflag:$0x1] =	stream.linear.gather [hbm4b:s6+s18], $0x10000, $0x38;
	[tilespmem:$0x10500] =	vst v63  }
0xc1: {  	s31 =	spop (v2sf)  }
0xc2: {  	_ =	swait.ge [sflag:s14], $0x10000  }
0xc3: {  	[sflag:s14] =	ssyncset.done $0x0  }
0xc4: {  	[sflag:s14] =	ssyncadd.s32 $0xFFFF0000  }
0xc5: {  	v2 =	vld.idx.msk [tilespmem:v2+s2+$0x0], $0xffff;
	_ =	sdelay $0x4  }
0xc6: {  	vm0 =	vne.s32 v2, $0x0  }
0xc7: {  	v2 =	vsel vm0, $0x1, v1  }
0xc8: {  	(xrf0) =	vadd.scan.msk.s32 $0xffff, v2;
	_ =	sdelay $0x3  }
0xc9: {  	s19 =	sadd.s32 s31, s19  }
0xca: {  	s19 =	sadd.s32 $0x80000000, s19  }
0xcb: {  	p0 =	slt.s32 s19, $0x400;
	v2, _, _ =	vpop (xrf0)  }
0xcc: {  	s19 =	simm.s32 @!p0 $0x400;
	v3 =	vxor.u32 $0x80000000, v2  }
0xcd: {  	(xrf0) =	vmax.scan.msk.u32 $0xffff, v3;
	v3 =	vmov s19  }
0xce: {  	v3 =	vadd.s32 $0xFFFFFFFF, v3  }
0xcf: {  	v3 =	vbroadcast v3, $0x0;
	_ =	sdelay $0x1  }
0xd0: {  	v2 =	vadd.s32 v2, v3  }
0xd1: {  	s20 =	simm.s32 $0x10  }
0xd2: {  	s21 =	simm.s32 $0x20;
	v3 =	vor.u32 s20, v0;
	v4, _, _ =	vpop (xrf0)  }
.LBB2_8:
0xd3: {  	p0 =	sne.s32 s21, $0xFFF0;
	s22 =	sadd.s32 s18, s13;
	(v2sf) =	vpush v4, $0xF;
	s18 =	smov.u32 s20  }
0xd4: {  	s20 =	smov.u32 s21;
	v4 =	vor.u32 s22, v0  }
0xd5: {  	[tilespmem:v2+s15+$0x0] =	vst.idx.msk vm0, v4;
	_ =	sdelay $0x1  }
0xd6: {  	v2 =	vld.idx.msk [tilespmem:v3+s2+$0x0], $0xffff;
	_ =	sdelay $0x5  }
0xd7: {  	vm0 =	vne.s32 v2, $0x0  }
0xd8: {  	v2 =	vsel vm0, $0x1, v1  }
0xd9: {  	(xrf0) =	vadd.scan.msk.s32 $0xffff, v2;
	_ =	sdelay $0x2  }
0xda: {  	s22 =	spop (v2sf)  }
0xdb: {  	s19 =	sadd.s32 s22, s19  }
0xdc: {  	s19 =	sadd.s32 $0x80000000, s19  }
0xdd: {  	v2, _, _ =	vpop (xrf0);
	p1 =	slt.s32 s19, $0x400  }
0xde: {  	v3 =	vxor.u32 $0x80000000, v2;
	s19 =	simm.s32 @!p1 $0x400  }
0xdf: {  	v4 =	vmov s19;
	(xrf0) =	vmax.scan.msk.u32 $0xffff, v3  }
0xe0: {  	v3 =	vadd.s32 $0xFFFFFFFF, v4  }
.Ltmp3:
0xe1: {  	v3 =	vbroadcast v3, $0x0;
	(pc) =	sbr.rel @p0 .LBB2_8-.Ltmp3, $3  }
0xe2: {  	_ = 	snop  }
0xe3: {  	v2 =	vadd.s32 v2, v3;
	_ =	sdelay $0x1  }
0xe4: {  	s21 =	sadd.s32 $0x10, s21;
	v3 =	vor.u32 s20, v0;
	v4, _, _ =	vpop (xrf0)  }
0xe5: {  	_ =	sdelay $0x2  }
0xe6: {  	s18 =	sadd.s32 s18, s13  }
0xe7: {  	v5 =	vor.u32 s18, v0  }
0xe8: {  	[tilespmem:v2+s15+$0x0] =	vst.idx.msk vm0, v5  }
0xe9: {  	v2 =	vld.idx.msk [tilespmem:v3+s2+$0x0], $0xffff;
	_ =	sdelay $0x4  }
0xea: {  	vm15 =	vne.s32 v2, $0x0  }
0xeb: {  	(v2sf) =	vpush v4, $0xF;
	v2 =	vsel vm15, $0x1, v1  }
0xec: {  	(xrf0) =	vadd.scan.msk.s32 $0xffff, v2;
	_ =	sdelay $0x5  }
0xed: {  	v2, _, _ =	vpop (xrf0)  }
0xee: {  	v3 =	vxor.u32 $0x80000000, v2  }
0xef: {  	(xrf0) =	vmax.scan.msk.u32 $0xffff, v3;
	_ =	sdelay $0x5  }
0xf0: {  	s29 =	spop (v2sf);
	v3, _, _ =	vpop (xrf0)  }
0xf1: {  	s18 =	sadd.s32 s29, s19;
	(v2sf) =	vpush v3, $0xF  }
0xf2: {  	s18 =	sadd.s32 $0x80000000, s18  }
0xf3: {  	p0 =	slt.s32 s18, $0x400  }
0xf4: {  	s18 =	simm.s32 @!p0 $0x400  }
0xf5: {  	v3 =	vmov s18  }
0xf6: {  	v3 =	vadd.s32 $0xFFFFFFFF, v3  }
0xf7: {  	v3 =	vbroadcast v3, $0x0;
	_ =	sdelay $0x1  }
0xf8: {  	v2 =	vadd.s32 v2, v3;
	_ =	sdelay $0x2  }
0xf9: {  	s30 =	sadd.s32 s20, s13  }
0xfa: {  	v3 =	vor.u32 s30, v0  }
0xfb: {  	[tilespmem:v2+s15+$0x0] =	vst.idx.msk vm15, v3  }
0xfc: {  	[hbm4b:s7+s2] =	stream.linear.scatter [tilespmem:s15], [sflag:$0x1], $0x400, $0x38;
	[tilespmem:$0x10500] =	vst v63  }
0xfd: {  	s31 =	spop (v2sf)  }
0xfe: {  	s18 =	sadd.s32 s31, s18  }
0xff: {  	s18 =	sadd.s32 $0x80000000, s18  }
0x100: {  	_ =	swait.ge [sflag:s14], $0x400;
	p0 =	slt.s32 s18, $0x400  }
0x101: {  	s17 =	sadd.s32 $0x1, s17;
	[sflag:s14] =	ssyncset.done $0x0;
	s18 =	simm.s32 @!p0 $0x400  }
0x102: {  	[sflag:s14] =	ssyncadd.s32 $0xFFFFFC00;
	p0 =	sne.s32 s17, s10;
	v2 =	vmov s18  }
.Ltmp4:
0x103: {  	[tilespmem:$0x10480] =	vst v2;
	(pc) =	sbr.rel @p0 .LBB2_1-.Ltmp4, $4  }
0x104: {  	[hbm4b:s9+s2] =	stream.linear.scatter [tilespmem:s16], [sflag:$0x1], $0x10, $0x38;
	[tilespmem:$0x10500] =	vst v63  }
0x105: {  	_ =	swait.ge [sflag:s14], $0x10  }
0x106: {  	[sflag:s14] =	ssyncset.done $0x0  }
0x107: {  	[sflag:s14] =	ssyncadd.s32 $0xFFFFFFF0  }
0x108: {  	_ =	sfence.sel $0x180000  }
0x109: {  	[bflag:$0x0] =	sbarrier.arrive $0xFFFF  }
0x10a: {  	p0 =	sne.s32 s0, $0x0;
	_ =	strace $0x90000050  }
0x10b: {  	s0 =	sadd.s32 @!p0 $0x100000, s1;
	[bflag:$0x2] =	sbarrier.arrive $0xFFFF  }
0x10c: {  	[sflag:s0] =	ssyncadd.tile.s32 @!p0 $0x1;
	_ =	shalt  }
.Lfunc_end2:
_tile_overlayer_lowered:
.L_overlay_start_2:
0x10d: {  	(tag) =	ssettag $0x2  }
0x10e: {  	s0 =	rddreg [dreg:$0x0];
	s2 =	stileid.u32  }
0x10f: {  	s1 =	rddreg [dreg:$0x1];
	p0 =	sne.s32 s2, $0x0  }
0x110: {  	s3 =	rddreg [dreg:$0x2];
	[bflag:$0x3] =	sbarrier.arrive $0xFFFF;
	s2 =	simm.s32 @!p0 $0x1C01  }
0x111: {  	[timem:s3], [sflag:s2] =	dma.local @!p0 [hbm:s0], s1  }
0x112: {  	s0 =	simm.s32 @!p0 $0x1  }
0x113: {  	_ =	swait.ge @!p0 [sflag:s0], s1  }
0x114: {  	s1 =	ssub.s32 @!p0 $0x0, s1;
	[sflag:s0] =	ssyncset.done @!p0 $0x0  }
0x115: {  	[sflag:s0] =	ssyncadd.s32 @!p0 s1  }
0x116: {  	[bflag:$0x3] =	sbarrier.arrive $0xFFFF  }
0x117: {  	_ =	shalt  }

// kernel: sparse-core-data-format-call.cloned.1.call-start
scs
called_computation_lowered:
.L_overlay_start_0:
0x0: {  	s1 =	sld [smem:$0x3FD9]  }
0x1: {  	s2 =	sld [smem:$0x3FFE];
	_ =	sdelay $0x1  }
0x2: {  	s3 =	srdreg.scid  }
0x3: {  	s0 =	sand.u32 $0x1, s3  }
0x4: {  	s17 =	sshll.u32 s0, $0xA;
	s1 =	sadd.s32 s2, s1  }
0x5: {  	s1 =	sadd.s32 s1, s17  }
0x6: {  	[smem:$0x3FBB] =	sst s1  }
0x7: {  	_ = 	snop  }
0x8: {  	(tm) =	ssettm $0x1  }
0x9: {  	s18 =	sld [smem:$0x3FFB];
	_ =	sdelay $0x3  }
0xa: {  	_ =	strace s18  }
0xb: {  	s1 =	sld [smem:$0x3FFC];
	_ =	sdelay $0x3  }
0xc: {  	_ =	strace s1  }
0xd: {  	s1 =	sld [smem:$0x3FFD];
	_ =	sdelay $0x3  }
0xe: {  	_ =	strace s1  }
0xf: {  	_ =	strace $0x8FFFFFFF  }
0x10: {  	s19 =	sld [smem:$0x3FDB];
	_ =	sdelay $0x1  }
0x11: {  	s20 =	simm.s32 $_scs_section_size  }
0x12: {  	s4 =	simm.s32 $_size__tile_overlayer_lowered;
	s5 =	simm.s32 $_tile_overlayer_lowered  }
0x13: {  	s23 =	simm.s32 $0x1BFF;
	s22 =	sshll.u32 s5, $0x1;
	s1 =	sadd.s32 s20, s19  }
0x14: {  	s6 =	simm.s32 $0x0;
	s21 =	sshll.u32 s4, $0x1;
	s4 =	sadd.s32 s22, s1  }
0x15: {  	[timem:s6], [sflag:s23] =	dma.local [hbm:s4], s21  }
0x16: {  	_ =	swait.ge [sflag:s23], s21  }
0x17: {  	s2 =	ssub.s32 $0x0, s21;
	[sflag:s23] =	ssyncset.done $0x0  }
0x18: {  	[sflag:s23] =	ssyncadd.s32 s2;
	_ =	sdelay $0x1  }
0x19: {  	s24 =	simm.s32 $0x1B8B  }
0x1a: {  	_ =	swait.ge [sflag:s24], $0x1  }
0x1b: {  	[sflag:s24] =	ssyncset.done $0x0  }
0x1c: {  	s26 =	simm.s32 $0x1B8E;
	s25 =	sld [smem:$0x3FFE];
	[sflag:s24] =	ssyncadd.s32 $0xFFFFFFFF  }
0x1d: {  	s27 =	simm.s32 $execute0_lowered;
	[smem:$0x3FD2] =	sst s26  }
0x1e: {  	s4 =	sshll.u32 s27, $0x1;
	_ =	strace $0x80000046;
	[dreg:$0x1] =	wrdreg $0xFFFFFFFF  }
0x1f: {  	s28 =	simm.s32 $_size_execute0_lowered;
	s1 =	sadd.s32 s1, s4;
	[dreg:$0x0] =	wrdreg $0x0  }
0x20: {  	s4 =	sshll.u32 s28, $0x1;
	[dreg:$0x2] =	wrdreg s1  }
0x21: {  	[dreg:$0x3] =	wrdreg s4  }
0x22: {  	[dreg:$0x4] =	wrdreg $0xC0  }
0x23: {  	_ =	task [dreg:s6], $0x5FFFF  }
0x24: {  	[dreg:$0x1] =	wrdreg $0xFFFFFFFF  }
0x25: {  	[dreg:$0x0] =	wrdreg $0x60  }
0x26: {  	[dreg:$0x2] =	wrdreg s25  }
0x27: {  	[dreg:$0x3] =	wrdreg $0x9  }
0x28: {  	_ =	task.clear_ibuf [dreg:s6], $0x4FFFF;
	_ =	strace $0x90000046  }
0x29: {  	s29 =	simm.s32 $0x9;
	_ =	strace $0x80000048  }
0x2a: {  	_ =	swait.ge [sflag:s29], $0x1  }
0x2b: {  	[sflag:s29] =	ssyncadd.s32 $0xFFFFFFFF  }
0x2c: {  	_ =	strace $0x90000048  }
0x2d: {  	_ =	sfence  }
0x2e: {  	s30 =	sld [smem:$0x0];
	_ =	sdelay $0x2  }
0x2f: {  	s31 =	sshll.u32 s3, $0xD;
	s3 =	sshrl.u32 s3, $0x2  }
0x30: {  	s2 =	sand.u32 $0x4000, s31;
	s1 =	sadd.s32 s3, s30  }
0x31: {  	s0 =	sor.u32 s2, s0;
	s1 =	sshll.u32 s1, $0x11  }
0x32: {  	s0 =	sor.u32 s1, s0  }
0x33: {  	s0 =	sadd.s32 $0x8F2B, s0  }
0x34: {  	[sflag:s0] =	ssyncadd.remote.s32 $0x1  }
0x35: {  	_ =	sfence.sel $0xFFFF  }
0x36: {  	[dreg:$0x0] =	wrdreg $0xFFFFFFFF;
	(pc) =	sbr.abs _section_cstart, $3  }
0x37: {  	[dreg:$0x1] =	wrdreg $0xFFFFFFFF  }
0x38: {  	_ =	task.clear_ibuf [dreg:s6], $0x2FFFF;
	_ =	strace $0x9FFFFFFF  }
0x39: {  	(tm) =	ssettm $0x7FFFFFFF  }
tec
execute0_lowered:
.L_overlay_start_1:
0x0: {  	(tag) =	ssettag $0x1  }
0x1: {  	s0 =	srdreg.scid  }
0x2: {  	s1 =	sshll.u32 s0, $0x4  }
0x3: {  	s4 =	rddreg [dreg:$0x0];
	s0 =	stileid.u32;
	s1 =	sand.u32 $0x10, s1  }
0x4: {  	s7 =	simm.s32 $0x1;
	s8 =	simm.s32 $0x2;
	s1 =	sor.u32 s0, s1  }
0x5: {  	s9 =	simm.s32 $0x0;
	s12 =	simm.s32 $0x0;
	s2 =	sshll.u32 s1, $0x1  }
0x6: {  	s11 =	simm.s32 $0x0;
	s3 =	sadd.s32 $0x47000, s4;
	s6 =	ssub.s32 $0x400, s2  }
.Ltmp0:
0x7: {  	s4 =	sadd.s32 $0x147000, s4;
	s5 =	sand.u32 $0x3E, s6;
	(pc) =	sbr.rel .LBB1_1-.Ltmp0, $4  }
0x8: {  	s1 =	rddreg [dreg:$0x1];
	_ =	strace $0x80000047;
	p0 =	sne.s32 s5, $0x0  }
0x9: {  	s6 =	sshrl.u32 s6, $0x6;
	s5 =	simm.s32 $0x1;
	s7 =	simm.s32 @!p0 $0x0  }
0xa: {  	s10 =	smov.u32 s2;
	[sflag:s5] =	ssyncpa.u1 $0x0;
	s6 =	sadd.s32 s7, s6  }
0xb: {  	[sflag:s8] =	ssyncpa.u1 $0x0;
	s8 =	simm.s32 $0x0;
	s7 =	sadd.s32 $0x1, s6  }
.LBB1_9:
0xc: {  	s14 =	sadd.s32 $0x40, s10  }
0xd: {  	p1 =	sgt.s32 s14, $0x3FF  }
0xe: {  	s14 =	smov.u32 @p1 s2;
	p1 =	sne.s32 s11, s7  }
.Ltmp1:
0xf: {  	p0 =	slt.u32 s11, $0x2;
	(pc) =	sbr.rel @!p1 .LBB1_10-.Ltmp1, $4  }
0x10: {  	s13 =	simm.s32 @!p0 $0x2  }
0x11: {  	s15 =	sadd.s32 $0x1, s11;
	_ =	swait.ge @!p0 [sflag:s13], $0x4000  }
0x12: {  	s12 =	smov.u32 s10;
	s9 =	sadd.s32 $0x4000, s9;
	[sflag:s13] =	ssyncset.done @!p0 $0x0  }
0x13: {  	s11 =	smov.u32 s15;
	s10 =	smov.u32 s14;
	[sflag:s13] =	ssyncadd.s32 @!p0 $0xFFFFC000  }
.LBB1_1:
0x14: {  	p0 =	sge.u32 s11, s6  }
0x15: {  	s13 =	sxor.u32 @!p0 $0xFFFFFFFF, s11  }
0x16: {  	s31 =	sadd.s32 $0xFFFFFFFF, s11;
	s14 =	sshll.u32 @!p0 s10, $0xA;
	s13 =	sshll.u32 @!p0 s13, $0xE  }
0x17: {  	s15 =	simm.s32 @!p0 $0x0;
	s14 =	sadd.s32 @!p0 s3, s14;
	s13 =	sand.u32 @!p0 $0x4000, s13  }
0x18: {  	[tilespmem:s13], [sflag:$0x1] =	stream.linear.gather @!p0 [hbm4b:s14+s15], $0x4000, $0x38;
	[tilespmem:$0x10000] =	vst v63  }
0x19: {  	p0 =	sge.u32 s31, s6  }
.Ltmp2:
0x1a: {  	_ = 	snop;
	(pc) =	sbr.rel @p0 .LBB1_9-.Ltmp2, $1  }
0x1b: {  	_ =	sdelay $0x3  }
0x1c: {  	s13 =	sshll.u32 s9, $0x2  }
0x1d: {  	_ =	swait.ge [sflag:s5], $0x4000;
	s14 =	sshll.u32 s11, $0xE;
	s16 =	simm.s32 $0x0  }
0x1e: {  	p1 =	por $0x1, $0x1;
	s13 =	sand.u32 $0x10000, s13;
	[sflag:s5] =	ssyncset.done $0x0  }
0x1f: {  	s14 =	sand.u32 $0x4000, s14;
	s15 =	sshrl.u32 s13, $0x2;
	[sflag:s5] =	ssyncadd.s32 $0xFFFFC000  }
0x20: {  	s13 =	sor.u32 $0x8000, s14;
	s14 =	sadd.s32 $0x8040, s15;
	s15 =	sadd.s32 $0x40, s15  }
.LBB1_3:
0x21: {  	s16 =	sshll.u32 s16, $0x2  }
0x22: {  	p0 =	por p1, p1;
	s17 =	sshra.s32 s16, $0x2  }
0x23: {  	s18 =	simm.s32 $0x0;
	s16 =	sadd.s32 s17, s14;
	s17 =	sadd.s32 s17, s15  }
.LBB1_4:
0x24: {  	v0 =	vmov s17;
	_ =	sdelay $0x3  }
0x25: {  	s20 =	simm.s32 $0x0  }
0x26: {  	v6 =	vld.idx.msk [tilespmem:v0+s20+$0x30 ss:$0x1], $0xffff  }
0x27: {  	v7 =	vld.idx.msk [tilespmem:v0+s20+$0xFFFFFFC0 ss:$0x1], $0xffff  }
0x28: {  	v5 =	vld.idx.msk [tilespmem:v0+s20+$0xFFFFFFD0 ss:$0x1], $0xffff  }
0x29: {  	v4 =	vld.idx.msk [tilespmem:v0+s20+$0xFFFFFFE0 ss:$0x1], $0xffff  }
0x2a: {  	v3 =	vld.idx.msk [tilespmem:v0+s20+$0xFFFFFFF0 ss:$0x1], $0xffff  }
0x2b: {  	v1 =	vld.idx.msk [tilespmem:v0+s20+$0x0 ss:$0x1], $0xffff  }
0x2c: {  	v2 =	vld.idx.msk [tilespmem:v0+s20+$0x10 ss:$0x1], $0xffff;
	[tilespmem:s16+$0x30] =	vst v6  }
0x2d: {  	s19 =	simm.s32 $0x80;
	s21 =	simm.s32 $0x400;
	[tilespmem:s16+$0xFFFFFFC0] =	vst v7;
	v6 =	vld.idx.msk [tilespmem:v0+s20+$0x20 ss:$0x1], $0xffff;
	s20 =	smov.u32 s16  }
.LBB1_5:
0x2e: {  	p1 =	sne.s32 s21, $0xE00;
	v7 =	vld.idx.msk [tilespmem:v0+s19+$0x30 ss:$0x1], $0xffff;
	[tilespmem:s20+$0xFFFFFFD0] =	vst v5  }
0x2f: {  	v8 =	vld.idx.msk [tilespmem:v0+s19+$0xFFFFFFC0 ss:$0x1], $0xffff;
	[tilespmem:s20+$0xFFFFFFE0] =	vst v4  }
0x30: {  	v5 =	vld.idx.msk [tilespmem:v0+s19+$0xFFFFFFD0 ss:$0x1], $0xffff;
	[tilespmem:s20+$0xFFFFFFF0] =	vst v3  }
.Ltmp3:
0x31: {  	v4 =	vld.idx.msk [tilespmem:v0+s19+$0xFFFFFFE0 ss:$0x1], $0xffff;
	[tilespmem:s20+$0x0] =	vst v1;
	(pc) =	sbr.rel @p1 .LBB1_5-.Ltmp3, $4  }
0x32: {  	v3 =	vld.idx.msk [tilespmem:v0+s19+$0xFFFFFFF0 ss:$0x1], $0xffff;
	[tilespmem:s20+$0x10] =	vst v2  }
0x33: {  	v1 =	vld.idx.msk [tilespmem:v0+s19+$0x0 ss:$0x1], $0xffff;
	[tilespmem:s20+$0x20] =	vst v6;
	s20 =	sadd.s32 $0x400, s20  }
0x34: {  	v2 =	vld.idx.msk [tilespmem:v0+s19+$0x10 ss:$0x1], $0xffff;
	[tilespmem:s20+$0x30] =	vst v7  }
0x35: {  	[tilespmem:s20+$0xFFFFFFC0] =	vst v8;
	v6 =	vld.idx.msk [tilespmem:v0+s19+$0x20 ss:$0x1], $0xffff;
	s19 =	sshra.s32 s21, $0x2;
	s21 =	sadd.s32 $0x200, s21  }
0x36: {  	_ =	sdelay $0x2  }
0x37: {  	[tilespmem:s20+$0xFFFFFFD0] =	vst v5  }
0x38: {  	v56 =	vld.idx.msk [tilespmem:v0+s19+$0x30 ss:$0x1], $0xffff;
	[tilespmem:s20+$0xFFFFFFE0] =	vst v4  }
0x39: {  	v57 =	vld.idx.msk [tilespmem:v0+s19+$0xFFFFFFC0 ss:$0x1], $0xffff;
	[tilespmem:s20+$0xFFFFFFF0] =	vst v3  }
0x3a: {  	v58 =	vld.idx.msk [tilespmem:v0+s19+$0xFFFFFFD0 ss:$0x1], $0xffff;
	[tilespmem:s20+$0x0] =	vst v1  }
0x3b: {  	v59 =	vld.idx.msk [tilespmem:v0+s19+$0xFFFFFFE0 ss:$0x1], $0xffff;
	[tilespmem:s20+$0x10] =	vst v2  }
0x3c: {  	v60 =	vld.idx.msk [tilespmem:v0+s19+$0xFFFFFFF0 ss:$0x1], $0xffff;
	s31 =	sadd.s32 $0x400, s20;
	[tilespmem:s20+$0x20] =	vst v6  }
0x3d: {  	v61 =	vld.idx.msk [tilespmem:v0+s19+$0x0 ss:$0x1], $0xffff;
	[tilespmem:s31+$0x30] =	vst v56  }
0x3e: {  	v62 =	vld.idx.msk [tilespmem:v0+s19+$0x10 ss:$0x1], $0xffff;
	s18 =	sadd.s32 $0x1, s18;
	[tilespmem:s31+$0xFFFFFFC0] =	vst v57  }
0x3f: {  	v63 =	vld.idx.msk [tilespmem:v0+s19+$0x20 ss:$0x1], $0xffff;
	p1 =	sne.s32 s18, $0x8;
	[tilespmem:s31+$0xFFFFFFD0] =	vst v58  }
.Ltmp4:
0x40: {  	[tilespmem:s31+$0xFFFFFFE0] =	vst v59;
	(pc) =	sbr.rel @p1 .LBB1_4-.Ltmp4, $4  }
0x41: {  	[tilespmem:s31+$0xFFFFFFF0] =	vst v60  }
0x42: {  	[tilespmem:s31+$0x0] =	vst v61  }
0x43: {  	[tilespmem:s31+$0x10] =	vst v62  }
0x44: {  	s16 =	sadd.s32 $0x80, s16;
	s17 =	sadd.s32 $0x400, s17;
	[tilespmem:s31+$0x20] =	vst v63  }
.Ltmp5:
0x45: {  	(pc) =	sbr.rel @p0 .LBB1_3-.Ltmp5, $2  }
0x46: {  	_ =	sdelay $0x2  }
0x47: {  	s16 =	simm.s32 $0x2000;
	p1 =	por $0x0, $0x0  }
.Ltmp6:
0x48: {  	(pc) =	sbr.rel .LBB1_9-.Ltmp6, $4  }
0x49: {  	_ = 	snop  }
0x4a: {  	s12 =	sshll.u32 s12, $0xA  }
0x4b: {  	s12 =	sadd.s32 s4, s12  }
0x4c: {  	[hbm4b:s12+s8] =	stream.linear.scatter [tilespmem:s13], [sflag:$0x2], $0x4000, $0x38;
	[tilespmem:$0x10000] =	vst v63  }
.LBB1_10:
0x4d: {  	_ =	sfence.sel $0x180000  }
0x4e: {  	s2 =	simm.s32 $0x1;
	[bflag:$0x0] =	sbarrier.arrive $0xFFFF  }
0x4f: {  	s31 =	simm.s32 $0x2;
	[sflag:s2] =	ssyncpa.u1 $0x1  }
0x50: {  	[sflag:s31] =	ssyncpa.u1 $0x1  }
0x51: {  	p0 =	sne.s32 s0, $0x0;
	_ =	strace $0x90000047  }
0x52: {  	s0 =	sadd.s32 @!p0 $0x100000, s1;
	[bflag:$0x2] =	sbarrier.arrive $0xFFFF  }
0x53: {  	[sflag:s0] =	ssyncadd.tile.s32 @!p0 $0x1;
	_ =	shalt  }
.Lfunc_end1:
_tile_overlayer_lowered:
.L_overlay_start_2:
0x54: {  	(tag) =	ssettag $0x2  }
0x55: {  	s0 =	rddreg [dreg:$0x0];
	s2 =	stileid.u32  }
0x56: {  	s1 =	rddreg [dreg:$0x1];
	p0 =	sne.s32 s2, $0x0  }
0x57: {  	s3 =	rddreg [dreg:$0x2];
	[bflag:$0x3] =	sbarrier.arrive $0xFFFF;
	s2 =	simm.s32 @!p0 $0x1C01  }
0x58: {  	[timem:s3], [sflag:s2] =	dma.local @!p0 [hbm:s0], s1  }
0x59: {  	s0 =	simm.s32 @!p0 $0x1  }
0x5a: {  	_ =	swait.ge @!p0 [sflag:s0], s1  }
0x5b: {  	s1 =	ssub.s32 @!p0 $0x0, s1;
	[sflag:s0] =	ssyncset.done @!p0 $0x0  }
0x5c: {  	[sflag:s0] =	ssyncadd.s32 @!p0 s1  }
0x5d: {  	[bflag:$0x3] =	sbarrier.arrive $0xFFFF  }
0x5e: {  	_ =	shalt  }

</sc_bundles>
